<compile_context>
chip_gen: v7x
topology: tpu7x:2x2x1
jax: 0.10.2.dev20260603
libtpu: 0.0.44.dev20260713+nightly
codegen_flags: <defaults>
</compile_context>

<pallas_src>
import functools

import jax
import jax.numpy as jnp
from jax import lax
from jax.experimental import pallas as pl
from jax.experimental.pallas import tpu as pltpu
from jax.experimental.pallas import tpu_sc as plsc

N_E = 1024
E_DIM = 256
N_TOK = 16384
TOK_BLK = 2048

_SC_CORES = 2
_SC_SUBCORES = 16
_NW = _SC_CORES * _SC_SUBCORES
_CHUNK = 128

_ROWS_PER_VREG = 8


def _dist_argmin_body(n_blk, z_ref, cb_ref, idx_ref, loss_ref, b_ref):
    i = pl.program_id(0)
    zblk = z_ref[...]
    cb = cb_ref[...]
    cb2 = cb + cb
    m2 = lax.dot_general(cb2, zblk, (((1,), (1,)), ((), ())),
                         preferred_element_type=jnp.float32)
    zsq = zblk * zblk
    ones_row = jnp.ones((1, E_DIM), jnp.float32)
    a = lax.dot_general(ones_row, zsq, (((1,), (1,)), ((), ())),
                        preferred_element_type=jnp.float32)

    @pl.when(i == 0)
    def _precompute_b():
        b_ref[...] = jnp.sum(cb * cb, axis=1)[:, None]

    b = b_ref[...]
    d = (a + b) - m2
    ds3 = d.reshape(N_E // _ROWS_PER_VREG, _ROWS_PER_VREG, TOK_BLK)
    mv = ds3[0]
    mi = jnp.zeros((_ROWS_PER_VREG, TOK_BLK), jnp.int32)
    for r in range(1, N_E // _ROWS_PER_VREG):
        row = ds3[r]
        lt = row < mv
        mv = jnp.where(lt, row, mv)
        mi = jnp.where(lt, r, mi)
    srow = lax.broadcasted_iota(jnp.int32, (_ROWS_PER_VREG, TOK_BLK), 0)
    gi = mi * _ROWS_PER_VREG + srow
    mind = jnp.min(mv, axis=0, keepdims=True)
    idx = jnp.min(jnp.where(mv == mind, gi, N_E), axis=0)
    idx_ref[0, 0, :] = idx

    @pl.when(i == 0)
    def _init():
        loss_ref[0, 0] = 0.0

    loss_ref[0, 0] += jnp.sum(mind)

    @pl.when(i == n_blk - 1)
    def _finish():
        loss_ref[0, 0] = loss_ref[0, 0] * (1.25 / (N_TOK * E_DIM))


def _dist_argmin(z_flat, codebook):
    n_tok = z_flat.shape[0]
    n_blk = n_tok // TOK_BLK
    return pl.pallas_call(
        functools.partial(_dist_argmin_body, n_blk),
        grid=(n_blk,),
        in_specs=[
            pl.BlockSpec((TOK_BLK, E_DIM), lambda i: (i, 0)),
            pl.BlockSpec((N_E, E_DIM), lambda i: (0, 0)),
        ],
        out_specs=[
            pl.BlockSpec((1, 1, TOK_BLK), lambda i: (i, 0, 0)),
            pl.BlockSpec(block_shape=(1, 1), index_map=lambda i: (0, 0),
                         memory_space=pltpu.SMEM),
        ],
        out_shape=[
            jax.ShapeDtypeStruct((n_blk, 1, TOK_BLK), jnp.int32),
            jax.ShapeDtypeStruct((1, 1), jnp.float32),
        ],
        scratch_shapes=[pltpu.VMEM((N_E, 1), jnp.float32)],
    )(z_flat, codebook)


@functools.cache
def _gather_fn(n_tok):
    mesh = plsc.VectorSubcoreMesh(core_axis_name="c", subcore_axis_name="s")
    b_per_w = n_tok // _NW
    n_chunk = b_per_w // _CHUNK

    @functools.partial(
        pl.kernel, mesh=mesh,
        out_type=jax.ShapeDtypeStruct((n_tok, E_DIM), jnp.float32),
        scratch_types=[
            pltpu.VMEM((b_per_w,), jnp.int32),
            pltpu.VMEM((_CHUNK, E_DIM), jnp.float32),
            pltpu.VMEM((_CHUNK, E_DIM), jnp.float32),
            pltpu.SemaphoreType.DMA,
            pltpu.SemaphoreType.DMA,
        ],
    )
    def gather(cb_hbm, idx_hbm, out_hbm, idx_v, buf0, buf1, sem0, sem1):
        wid = lax.axis_index("s") * _SC_CORES + lax.axis_index("c")
        base = wid * b_per_w
        pltpu.sync_copy(idx_hbm.at[pl.ds(base, b_per_w)], idx_v)
        bufs = (buf0, buf1)
        sems = (sem0, sem1)
        copies = []
        for k in range(n_chunk):
            copies.append(pltpu.async_copy(
                cb_hbm.at[idx_v.at[pl.ds(k * _CHUNK, _CHUNK)]],
                bufs[k % 2], sems[k % 2]))
            if k >= 1:
                copies[k - 1].wait()
                pltpu.sync_copy(bufs[(k - 1) % 2],
                                out_hbm.at[pl.ds(base + (k - 1) * _CHUNK, _CHUNK)])
        copies[-1].wait()
        pltpu.sync_copy(bufs[(n_chunk - 1) % 2],
                        out_hbm.at[pl.ds(base + (n_chunk - 1) * _CHUNK, _CHUNK)])

    return gather


def kernel(z, codebook):
    z_flat = jnp.transpose(z, (0, 2, 3, 1)).reshape(N_TOK, E_DIM)
    idx3, loss11 = _dist_argmin(z_flat, codebook)
    idx = idx3.reshape(N_TOK)
    zq_flat = _gather_fn(N_TOK)(codebook, idx)
    z_q_out = jnp.transpose(zq_flat.reshape(16, 32, 32, E_DIM), (0, 3, 1, 2))
    return z_q_out, loss11[0, 0], idx

# --- scband reference (transcript-rebuilt; emitter-appended) ---
"""Pipeline reference for scband-bank-25821343383842 (READ-ONLY COPY).

The authoritative reference and input builder live on the scoring server;
editing this copy changes nothing except your own understanding.
"""

import jax, jax.numpy as jnp
import numpy as np

N_E = 1024
E_DIM = 256
BETA = 0.25


def setup_inputs(seed: int = 0) -> dict:
    key = jax.random.key(seed)
    k1, k2 = jax.random.split(key)
    z = jax.random.normal(k1, (16, 256, 32, 32), dtype=jnp.float32)
    # nn.Embedding weight initialized uniform(-1/n_e, 1/n_e)
    codebook = jax.random.uniform(k2, (N_E, E_DIM), minval=-1.0 / N_E, maxval=1.0 / N_E, dtype=jnp.float32)
    return {"z": z, "codebook": codebook}


def _dist(x, y):
    # torch: sum(x^2,1,keepdim) + sum(y^2,1) - 2 x @ y.T
    return (jnp.sum(x ** 2, axis=1, keepdims=True)
            + jnp.sum(y ** 2, axis=1)
            - 2.0 * jnp.matmul(x, y.T))


def reference(z, codebook):
    # z: (B, C, H, W) -> (B, H, W, C)
    zp = jnp.transpose(z, (0, 2, 3, 1))
    z_flat = zp.reshape(-1, E_DIM)
    d = _dist(z_flat, codebook)
    min_encoding_indices = jnp.argmin(d, axis=1)
    min_encodings = jax.nn.one_hot(min_encoding_indices, N_E, dtype=z_flat.dtype)
    z_q = jnp.matmul(min_encodings, codebook).reshape(zp.shape)
    # codebook loss + beta * commitment loss
    codebook_loss = jnp.mean((z_q - jax.lax.stop_gradient(zp)) ** 2)
    commit_loss = BETA * jnp.mean((jax.lax.stop_gradient(z_q) - zp) ** 2)
    loss = codebook_loss + commit_loss
    # straight-through estimator
    z_q_st = zp + jax.lax.stop_gradient(z_q - zp)
    z_q_out = jnp.transpose(z_q_st, (0, 3, 1, 2))
    return z_q_out, loss, min_encoding_indices

if __name__ == "__main__":
    import jax
    _d = setup_inputs()
    print(jax.jit(kernel)(*tuple(_d.values())))

</pallas_src>

<mosaic_0001>
#map = affine_map<(d0, d1) -> (0, 0)>
#map1 = affine_map<(d0, d1) -> (0)>
module attributes {stable_mosaic.version = 14 : i64} {
  func.func @gather(%arg0: i32, %arg1: i32, %arg2: memref<1024x256xf32, #tpu.memory_space<hbm>>, %arg3: memref<16384xi32, #tpu.memory_space<hbm>>, %arg4: memref<16384x256xf32, #tpu.memory_space<hbm>>, %arg5: memref<512xi32, #tpu.memory_space<vmem>>, %arg6: memref<128x256xf32, #tpu.memory_space<vmem>>, %arg7: memref<128x256xf32, #tpu.memory_space<vmem>>, %arg8: memref<!tpu.dma_semaphore, #tpu.memory_space<semaphore_mem>>, %arg9: memref<!tpu.dma_semaphore, #tpu.memory_space<semaphore_mem>>) attributes {dimension_semantics = [#tpu.dimension_semantics<core_parallel>, #tpu.dimension_semantics<subcore_parallel>], iteration_bounds = array<i64: 2, 16>, scalar_prefetch = 0 : i64, scratch_operands = 5 : i64, tpu.core_type = #tpu.core_type<sc_vector_subcore>, window_params = [{transform_indices = #map}, {transform_indices = #map1}, {transform_indices = #map}]} {
    %mul3A = arith.constant 2 : i32
    %mul3A_0 = arith.muli %arg1, %mul3A : i32
    %add3A = arith.addi %mul3A_0, %arg0 : i32
    %mul3A_1 = arith.constant 512 : i32
    %mul3A_2 = arith.muli %add3A, %mul3A_1 : i32
    "tpu.region"() ({
      %run_scoped3A = tpu.sem_alloc : memref<!tpu.dma_semaphore, #tpu.memory_space<semaphore_mem>>
      %dma_start3A_49 = tpu.memref_slice %arg3[%mul3A_2] : memref<16384xi32, #tpu.memory_space<hbm>> -> memref<512xi32, #tpu.memory_space<hbm>>
      %dma_start3A_50 = tpu.memref_slice %arg3[%mul3A_2] : memref<16384xi32, #tpu.memory_space<hbm>> -> memref<512xi32, #tpu.memory_space<hbm>>
      tpu.enqueue_dma source(%dma_start3A_50 : memref<512xi32, #tpu.memory_space<hbm>>) target(%arg5 : memref<512xi32, #tpu.memory_space<vmem>>) target_semaphore(%run_scoped3A : memref<!tpu.dma_semaphore, #tpu.memory_space<semaphore_mem>>)
      %dma_wait3A_51 = tpu.memref_slice %arg3[%mul3A_2] : memref<16384xi32, #tpu.memory_space<hbm>> -> memref<512xi32, #tpu.memory_space<hbm>>
      %dma_wait3A_52 = tpu.memref_slice %arg3[%mul3A_2] : memref<16384xi32, #tpu.memory_space<hbm>> -> memref<512xi32, #tpu.memory_space<hbm>>
      tpu.wait_dma2 semaphore(%run_scoped3A : memref<!tpu.dma_semaphore, #tpu.memory_space<semaphore_mem>>) src(%dma_wait3A_52 : memref<512xi32, #tpu.memory_space<hbm>>) dst(%arg5 : memref<512xi32, #tpu.memory_space<vmem>>)
      tpu.yield
    }) : () -> ()
    %dma_start3A = arith.constant 0 : i32
    %dma_start3A_3 = tpu.memref_slice %arg5[%dma_start3A] : memref<512xi32, #tpu.memory_space<vmem>> -> memref<128xi32, #tpu.memory_space<vmem>>
    %dma_start3A_4 = arith.constant 0 : i32
    %dma_start3A_5 = arith.constant 0 : i32
    %dma_start3A_6 = tpu.memref_slice %arg2[%dma_start3A_4, %dma_start3A_5] : memref<1024x256xf32, #tpu.memory_space<hbm>> -> memref<1024x256xf32, #tpu.memory_space<hbm>>
    tpu.enqueue_indirect_dma source(%dma_start3A_6 : memref<1024x256xf32, #tpu.memory_space<hbm>>) target(%arg6 : memref<128x256xf32, #tpu.memory_space<vmem>>) offsets(%dma_start3A_3 : memref<128xi32, #tpu.memory_space<vmem>>) semaphore(%arg8 : memref<!tpu.dma_semaphore, #tpu.memory_space<semaphore_mem>>)
    %dma_start3A_7 = arith.constant 128 : i32
    %dma_start3A_8 = tpu.memref_slice %arg5[%dma_start3A_7] : memref<512xi32, #tpu.memory_space<vmem>> -> memref<128xi32, #tpu.memory_space<vmem>>
    %dma_start3A_9 = arith.constant 0 : i32
    %dma_start3A_10 = arith.constant 0 : i32
    %dma_start3A_11 = tpu.memref_slice %arg2[%dma_start3A_9, %dma_start3A_10] : memref<1024x256xf32, #tpu.memory_space<hbm>> -> memref<1024x256xf32, #tpu.memory_space<hbm>>
    tpu.enqueue_indirect_dma source(%dma_start3A_11 : memref<1024x256xf32, #tpu.memory_space<hbm>>) target(%arg7 : memref<128x256xf32, #tpu.memory_space<vmem>>) offsets(%dma_start3A_8 : memref<128xi32, #tpu.memory_space<vmem>>) semaphore(%arg9 : memref<!tpu.dma_semaphore, #tpu.memory_space<semaphore_mem>>)
    %dma_wait3A = arith.constant 0 : i32
    %dma_wait3A_12 = tpu.memref_slice %arg5[%dma_wait3A] : memref<512xi32, #tpu.memory_space<vmem>> -> memref<128xi32, #tpu.memory_space<vmem>>
    %dma_wait3A_13 = arith.constant 0 : i32
    %dma_wait3A_14 = arith.constant 0 : i32
    %dma_wait3A_15 = tpu.memref_slice %arg2[%dma_wait3A_13, %dma_wait3A_14] : memref<1024x256xf32, #tpu.memory_space<hbm>> -> memref<1024x256xf32, #tpu.memory_space<hbm>>
    tpu.wait_indirect_dma semaphore(%arg8 : memref<!tpu.dma_semaphore, #tpu.memory_space<semaphore_mem>>) src(%dma_wait3A_15 : memref<1024x256xf32, #tpu.memory_space<hbm>>) dst(%arg6 : memref<128x256xf32, #tpu.memory_space<vmem>>)
    %add3A_16 = arith.constant 0 : i32
    %add3A_17 = arith.addi %mul3A_2, %add3A_16 : i32
    "tpu.region"() ({
      %run_scoped3A = tpu.sem_alloc : memref<!tpu.dma_semaphore, #tpu.memory_space<semaphore_mem>>
      %dma_start3A_49 = arith.constant 0 : i32
      %dma_start3A_50 = tpu.memref_slice %arg4[%add3A_17, %dma_start3A_49] : memref<16384x256xf32, #tpu.memory_space<hbm>> -> memref<128x256xf32, #tpu.memory_space<hbm>>
      %dma_start3A_51 = arith.constant 0 : i32
      %dma_start3A_52 = tpu.memref_slice %arg4[%add3A_17, %dma_start3A_51] : memref<16384x256xf32, #tpu.memory_space<hbm>> -> memref<128x256xf32, #tpu.memory_space<hbm>>
      tpu.enqueue_dma source(%arg6 : memref<128x256xf32, #tpu.memory_space<vmem>>) target(%dma_start3A_52 : memref<128x256xf32, #tpu.memory_space<hbm>>) target_semaphore(%run_scoped3A : memref<!tpu.dma_semaphore, #tpu.memory_space<semaphore_mem>>)
      %dma_wait3A_53 = arith.constant 0 : i32
      %dma_wait3A_54 = tpu.memref_slice %arg4[%add3A_17, %dma_wait3A_53] : memref<16384x256xf32, #tpu.memory_space<hbm>> -> memref<128x256xf32, #tpu.memory_space<hbm>>
      %dma_wait3A_55 = arith.constant 0 : i32
      %dma_wait3A_56 = tpu.memref_slice %arg4[%add3A_17, %dma_wait3A_55] : memref<16384x256xf32, #tpu.memory_space<hbm>> -> memref<128x256xf32, #tpu.memory_space<hbm>>
      tpu.wait_dma2 semaphore(%run_scoped3A : memref<!tpu.dma_semaphore, #tpu.memory_space<semaphore_mem>>) src(%arg6 : memref<128x256xf32, #tpu.memory_space<vmem>>) dst(%dma_wait3A_56 : memref<128x256xf32, #tpu.memory_space<hbm>>)
      tpu.yield
    }) : () -> ()
    %dma_start3A_18 = arith.constant 256 : i32
    %dma_start3A_19 = tpu.memref_slice %arg5[%dma_start3A_18] : memref<512xi32, #tpu.memory_space<vmem>> -> memref<128xi32, #tpu.memory_space<vmem>>
    %dma_start3A_20 = arith.constant 0 : i32
    %dma_start3A_21 = arith.constant 0 : i32
    %dma_start3A_22 = tpu.memref_slice %arg2[%dma_start3A_20, %dma_start3A_21] : memref<1024x256xf32, #tpu.memory_space<hbm>> -> memref<1024x256xf32, #tpu.memory_space<hbm>>
    tpu.enqueue_indirect_dma source(%dma_start3A_22 : memref<1024x256xf32, #tpu.memory_space<hbm>>) target(%arg6 : memref<128x256xf32, #tpu.memory_space<vmem>>) offsets(%dma_start3A_19 : memref<128xi32, #tpu.memory_space<vmem>>) semaphore(%arg8 : memref<!tpu.dma_semaphore, #tpu.memory_space<semaphore_mem>>)
    %dma_wait3A_23 = arith.constant 128 : i32
    %dma_wait3A_24 = tpu.memref_slice %arg5[%dma_wait3A_23] : memref<512xi32, #tpu.memory_space<vmem>> -> memref<128xi32, #tpu.memory_space<vmem>>
    %dma_wait3A_25 = arith.constant 0 : i32
    %dma_wait3A_26 = arith.constant 0 : i32
    %dma_wait3A_27 = tpu.memref_slice %arg2[%dma_wait3A_25, %dma_wait3A_26] : memref<1024x256xf32, #tpu.memory_space<hbm>> -> memref<1024x256xf32, #tpu.memory_space<hbm>>
    tpu.wait_indirect_dma semaphore(%arg9 : memref<!tpu.dma_semaphore, #tpu.memory_space<semaphore_mem>>) src(%dma_wait3A_27 : memref<1024x256xf32, #tpu.memory_space<hbm>>) dst(%arg7 : memref<128x256xf32, #tpu.memory_space<vmem>>)
    %add3A_28 = arith.constant 128 : i32
    %add3A_29 = arith.addi %mul3A_2, %add3A_28 : i32
    "tpu.region"() ({
      %run_scoped3A = tpu.sem_alloc : memref<!tpu.dma_semaphore, #tpu.memory_space<semaphore_mem>>
      %dma_start3A_49 = arith.constant 0 : i32
      %dma_start3A_50 = tpu.memref_slice %arg4[%add3A_29, %dma_start3A_49] : memref<16384x256xf32, #tpu.memory_space<hbm>> -> memref<128x256xf32, #tpu.memory_space<hbm>>
      %dma_start3A_51 = arith.constant 0 : i32
      %dma_start3A_52 = tpu.memref_slice %arg4[%add3A_29, %dma_start3A_51] : memref<16384x256xf32, #tpu.memory_space<hbm>> -> memref<128x256xf32, #tpu.memory_space<hbm>>
      tpu.enqueue_dma source(%arg7 : memref<128x256xf32, #tpu.memory_space<vmem>>) target(%dma_start3A_52 : memref<128x256xf32, #tpu.memory_space<hbm>>) target_semaphore(%run_scoped3A : memref<!tpu.dma_semaphore, #tpu.memory_space<semaphore_mem>>)
      %dma_wait3A_53 = arith.constant 0 : i32
      %dma_wait3A_54 = tpu.memref_slice %arg4[%add3A_29, %dma_wait3A_53] : memref<16384x256xf32, #tpu.memory_space<hbm>> -> memref<128x256xf32, #tpu.memory_space<hbm>>
      %dma_wait3A_55 = arith.constant 0 : i32
      %dma_wait3A_56 = tpu.memref_slice %arg4[%add3A_29, %dma_wait3A_55] : memref<16384x256xf32, #tpu.memory_space<hbm>> -> memref<128x256xf32, #tpu.memory_space<hbm>>
      tpu.wait_dma2 semaphore(%run_scoped3A : memref<!tpu.dma_semaphore, #tpu.memory_space<semaphore_mem>>) src(%arg7 : memref<128x256xf32, #tpu.memory_space<vmem>>) dst(%dma_wait3A_56 : memref<128x256xf32, #tpu.memory_space<hbm>>)
      tpu.yield
    }) : () -> ()
    %dma_start3A_30 = arith.constant 384 : i32
    %dma_start3A_31 = tpu.memref_slice %arg5[%dma_start3A_30] : memref<512xi32, #tpu.memory_space<vmem>> -> memref<128xi32, #tpu.memory_space<vmem>>
    %dma_start3A_32 = arith.constant 0 : i32
    %dma_start3A_33 = arith.constant 0 : i32
    %dma_start3A_34 = tpu.memref_slice %arg2[%dma_start3A_32, %dma_start3A_33] : memref<1024x256xf32, #tpu.memory_space<hbm>> -> memref<1024x256xf32, #tpu.memory_space<hbm>>
    tpu.enqueue_indirect_dma source(%dma_start3A_34 : memref<1024x256xf32, #tpu.memory_space<hbm>>) target(%arg7 : memref<128x256xf32, #tpu.memory_space<vmem>>) offsets(%dma_start3A_31 : memref<128xi32, #tpu.memory_space<vmem>>) semaphore(%arg9 : memref<!tpu.dma_semaphore, #tpu.memory_space<semaphore_mem>>)
    %dma_wait3A_35 = arith.constant 256 : i32
    %dma_wait3A_36 = tpu.memref_slice %arg5[%dma_wait3A_35] : memref<512xi32, #tpu.memory_space<vmem>> -> memref<128xi32, #tpu.memory_space<vmem>>
    %dma_wait3A_37 = arith.constant 0 : i32
    %dma_wait3A_38 = arith.constant 0 : i32
    %dma_wait3A_39 = tpu.memref_slice %arg2[%dma_wait3A_37, %dma_wait3A_38] : memref<1024x256xf32, #tpu.memory_space<hbm>> -> memref<1024x256xf32, #tpu.memory_space<hbm>>
    tpu.wait_indirect_dma semaphore(%arg8 : memref<!tpu.dma_semaphore, #tpu.memory_space<semaphore_mem>>) src(%dma_wait3A_39 : memref<1024x256xf32, #tpu.memory_space<hbm>>) dst(%arg6 : memref<128x256xf32, #tpu.memory_space<vmem>>)
    %add3A_40 = arith.constant 256 : i32
    %add3A_41 = arith.addi %mul3A_2, %add3A_40 : i32
    "tpu.region"() ({
      %run_scoped3A = tpu.sem_alloc : memref<!tpu.dma_semaphore, #tpu.memory_space<semaphore_mem>>
      %dma_start3A_49 = arith.constant 0 : i32
      %dma_start3A_50 = tpu.memref_slice %arg4[%add3A_41, %dma_start3A_49] : memref<16384x256xf32, #tpu.memory_space<hbm>> -> memref<128x256xf32, #tpu.memory_space<hbm>>
      %dma_start3A_51 = arith.constant 0 : i32
      %dma_start3A_52 = tpu.memref_slice %arg4[%add3A_41, %dma_start3A_51] : memref<16384x256xf32, #tpu.memory_space<hbm>> -> memref<128x256xf32, #tpu.memory_space<hbm>>
      tpu.enqueue_dma source(%arg6 : memref<128x256xf32, #tpu.memory_space<vmem>>) target(%dma_start3A_52 : memref<128x256xf32, #tpu.memory_space<hbm>>) target_semaphore(%run_scoped3A : memref<!tpu.dma_semaphore, #tpu.memory_space<semaphore_mem>>)
      %dma_wait3A_53 = arith.constant 0 : i32
      %dma_wait3A_54 = tpu.memref_slice %arg4[%add3A_41, %dma_wait3A_53] : memref<16384x256xf32, #tpu.memory_space<hbm>> -> memref<128x256xf32, #tpu.memory_space<hbm>>
      %dma_wait3A_55 = arith.constant 0 : i32
      %dma_wait3A_56 = tpu.memref_slice %arg4[%add3A_41, %dma_wait3A_55] : memref<16384x256xf32, #tpu.memory_space<hbm>> -> memref<128x256xf32, #tpu.memory_space<hbm>>
      tpu.wait_dma2 semaphore(%run_scoped3A : memref<!tpu.dma_semaphore, #tpu.memory_space<semaphore_mem>>) src(%arg6 : memref<128x256xf32, #tpu.memory_space<vmem>>) dst(%dma_wait3A_56 : memref<128x256xf32, #tpu.memory_space<hbm>>)
      tpu.yield
    }) : () -> ()
    %dma_wait3A_42 = arith.constant 384 : i32
    %dma_wait3A_43 = tpu.memref_slice %arg5[%dma_wait3A_42] : memref<512xi32, #tpu.memory_space<vmem>> -> memref<128xi32, #tpu.memory_space<vmem>>
    %dma_wait3A_44 = arith.constant 0 : i32
    %dma_wait3A_45 = arith.constant 0 : i32
    %dma_wait3A_46 = tpu.memref_slice %arg2[%dma_wait3A_44, %dma_wait3A_45] : memref<1024x256xf32, #tpu.memory_space<hbm>> -> memref<1024x256xf32, #tpu.memory_space<hbm>>
    tpu.wait_indirect_dma semaphore(%arg9 : memref<!tpu.dma_semaphore, #tpu.memory_space<semaphore_mem>>) src(%dma_wait3A_46 : memref<1024x256xf32, #tpu.memory_space<hbm>>) dst(%arg7 : memref<128x256xf32, #tpu.memory_space<vmem>>)
    %add3A_47 = arith.constant 384 : i32
    %add3A_48 = arith.addi %mul3A_2, %add3A_47 : i32
    "tpu.region"() ({
      %run_scoped3A = tpu.sem_alloc : memref<!tpu.dma_semaphore, #tpu.memory_space<semaphore_mem>>
      %dma_start3A_49 = arith.constant 0 : i32
      %dma_start3A_50 = tpu.memref_slice %arg4[%add3A_48, %dma_start3A_49] : memref<16384x256xf32, #tpu.memory_space<hbm>> -> memref<128x256xf32, #tpu.memory_space<hbm>>
      %dma_start3A_51 = arith.constant 0 : i32
      %dma_start3A_52 = tpu.memref_slice %arg4[%add3A_48, %dma_start3A_51] : memref<16384x256xf32, #tpu.memory_space<hbm>> -> memref<128x256xf32, #tpu.memory_space<hbm>>
      tpu.enqueue_dma source(%arg7 : memref<128x256xf32, #tpu.memory_space<vmem>>) target(%dma_start3A_52 : memref<128x256xf32, #tpu.memory_space<hbm>>) target_semaphore(%run_scoped3A : memref<!tpu.dma_semaphore, #tpu.memory_space<semaphore_mem>>)
      %dma_wait3A_53 = arith.constant 0 : i32
      %dma_wait3A_54 = tpu.memref_slice %arg4[%add3A_48, %dma_wait3A_53] : memref<16384x256xf32, #tpu.memory_space<hbm>> -> memref<128x256xf32, #tpu.memory_space<hbm>>
      %dma_wait3A_55 = arith.constant 0 : i32
      %dma_wait3A_56 = tpu.memref_slice %arg4[%add3A_48, %dma_wait3A_55] : memref<16384x256xf32, #tpu.memory_space<hbm>> -> memref<128x256xf32, #tpu.memory_space<hbm>>
      tpu.wait_dma2 semaphore(%run_scoped3A : memref<!tpu.dma_semaphore, #tpu.memory_space<semaphore_mem>>) src(%arg7 : memref<128x256xf32, #tpu.memory_space<vmem>>) dst(%dma_wait3A_56 : memref<128x256xf32, #tpu.memory_space<hbm>>)
      tpu.yield
    }) : () -> ()
    return
  }
}

module attributes {stable_mosaic.version = 14 : i64} {
  func.func @_dist_argmin_body(%arg0: i32, %arg1: memref<2048x256xf32, #tpu.memory_space<vmem>>, %arg2: memref<1024x256xf32, #tpu.memory_space<vmem>>, %arg3: memref<1x1x2048xi32, #tpu.memory_space<vmem>>, %arg4: memref<1x1xf32, #tpu.memory_space<smem>>, %arg5: memref<1024x1xf32, #tpu.memory_space<vmem>>) attributes {dimension_semantics = [#tpu.dimension_semantics<arbitrary>], iteration_bounds = array<i64: 8>, scalar_prefetch = 0 : i64, scratch_operands = 1 : i64, tpu.core_type = #tpu.core_type<tc>, window_params = [{transform_indices = @transform_0, window_bounds = array<i64: 2048, 256>}, {pipeline_mode = #tpu.pipeline_mode<synchronous>, transform_indices = @transform_1, window_bounds = array<i64: 1024, 256>}, {transform_indices = @transform_2, window_bounds = array<i64: 1, 1, 2048>}, {transform_indices = @transform_3, window_bounds = array<i64: 1, 1>}]} {
    %get3A = arith.constant 0 : index
    %get3A_0 = arith.constant 0 : index
    %get3A_1 = vector.load %arg1[%get3A, %get3A_0] : memref<2048x256xf32, #tpu.memory_space<vmem>>, vector<2048x256xf32>
    %get3A_2 = arith.constant 0 : index
    %get3A_3 = arith.constant 0 : index
    %get3A_4 = vector.load %arg2[%get3A_2, %get3A_3] : memref<1024x256xf32, #tpu.memory_space<vmem>>, vector<1024x256xf32>
    %add3A = arith.addf %get3A_4, %get3A_4 : vector<1024x256xf32>
    %dot_general3A = arith.constant dense<0.000000e+00> : vector<1024x2048xf32>
    %dot_general3A_5 = tpu.matmul %add3A, %get3A_1, %dot_general3A {dimension_numbers = #tpu.dot_dimension_numbers<[1], [1], [0], [0], [0, 0, 1, 0], [], []>, transpose_lhs_hint = false} : vector<1024x256xf32>, vector<2048x256xf32>, vector<1024x2048xf32> -> vector<1024x2048xf32>
    %mul3A = arith.mulf %get3A_1, %get3A_1 : vector<2048x256xf32>
    %broadcast_in_dim3A = arith.constant 1.000000e+00 : f32
    %broadcast_in_dim3A_6 = vector.broadcast %broadcast_in_dim3A : f32 to vector<1x256xf32>
    %dot_general3A_7 = arith.constant dense<0.000000e+00> : vector<1x2048xf32>
    %dot_general3A_8 = tpu.matmul %broadcast_in_dim3A_6, %mul3A, %dot_general3A_7 {dimension_numbers = #tpu.dot_dimension_numbers<[1], [1], [0], [0], [0, 0, 1, 0], [], []>, transpose_lhs_hint = false} : vector<1x256xf32>, vector<2048x256xf32>, vector<1x2048xf32> -> vector<1x2048xf32>
    %eq3A = arith.constant 0 : i32
    %eq3A_9 = arith.cmpi eq, %arg0, %eq3A : i32
    %convert_element_type3A = arith.extui %eq3A_9 : i1 to i32
    %cond3A = arith.constant 0 : i32
    %cond3A_10 = arith.cmpi ne, %convert_element_type3A, %cond3A : i32
    scf.if %cond3A_10 {
      %mul3A_944 = arith.mulf %get3A_4, %get3A_4 : vector<1024x256xf32>
      %reduce_sum3A_945 = arith.constant dense<0.000000e+00> : vector<1024xf32>
      %reduce_sum3A_946 = vector.multi_reduction <add>, %mul3A_944, %reduce_sum3A_945 [1] : vector<1024x256xf32> to vector<1024xf32>
      %broadcast_in_dim3A_947 = vector.shape_cast %reduce_sum3A_946 : vector<1024xf32> to vector<1024x1xf32>
      %swap3A_948 = arith.constant 0 : index
      %swap3A_949 = arith.constant 0 : index
      %swap3A_950 = vector.load %arg5[%swap3A_948, %swap3A_949] : memref<1024x1xf32, #tpu.memory_space<vmem>>, vector<1024x1xf32>
      tpu.vector_store %arg5[%swap3A_948, %swap3A_949], %broadcast_in_dim3A_947 {strides = array<i32>} : memref<1024x1xf32, #tpu.memory_space<vmem>>, vector<1024x1xf32>,
    } else {
    }
    %get3A_11 = arith.constant 0 : index
    %get3A_12 = arith.constant 0 : index
    %get3A_13 = vector.load %arg5[%get3A_11, %get3A_12] : memref<1024x1xf32, #tpu.memory_space<vmem>>, vector<1024x1xf32>
    %add3A_14 = vector.broadcast %dot_general3A_8 : vector<1x2048xf32> to vector<1024x2048xf32>
    %add3A_15 = vector.broadcast %get3A_13 : vector<1024x1xf32> to vector<1024x2048xf32>
    %add3A_16 = arith.addf %add3A_14, %add3A_15 : vector<1024x2048xf32>
    %sub3A = arith.subf %add3A_16, %dot_general3A_5 : vector<1024x2048xf32>
    %reshape3A = vector.shape_cast %sub3A : vector<1024x2048xf32> to vector<128x8x2048xf32>
    %slice3A = vector.extract_strided_slice %reshape3A {offsets = [0, 0, 0], sizes = [1, 8, 2048], strides = [1, 1, 1]} : vector<128x8x2048xf32> to vector<1x8x2048xf32>
    %squeeze3A = vector.shape_cast %slice3A : vector<1x8x2048xf32> to vector<8x2048xf32>
    %broadcast_in_dim3A_17 = arith.constant 0 : i32
    %broadcast_in_dim3A_18 = vector.broadcast %broadcast_in_dim3A_17 : i32 to vector<8x2048xi32>
    %slice3A_19 = vector.extract_strided_slice %reshape3A {offsets = [1, 0, 0], sizes = [1, 8, 2048], strides = [1, 1, 1]} : vector<128x8x2048xf32> to vector<1x8x2048xf32>
    %squeeze3A_20 = vector.shape_cast %slice3A_19 : vector<1x8x2048xf32> to vector<8x2048xf32>
    %lt3A = arith.cmpf olt, %squeeze3A_20, %squeeze3A : vector<8x2048xf32>
    %select_n3A = arith.select %lt3A, %squeeze3A_20, %squeeze3A : vector<8x2048xi1>, vector<8x2048xf32>
    %jit3A = arith.constant 1 : i32
    %broadcast_in_dim3A_21 = vector.broadcast %jit3A : i32 to vector<8x2048xi32>
    %select_n3A_22 = arith.select %lt3A, %broadcast_in_dim3A_21, %broadcast_in_dim3A_18 : vector<8x2048xi1>, vector<8x2048xi32>
    %slice3A_23 = vector.extract_strided_slice %reshape3A {offsets = [2, 0, 0], sizes = [1, 8, 2048], strides = [1, 1, 1]} : vector<128x8x2048xf32> to vector<1x8x2048xf32>
    %squeeze3A_24 = vector.shape_cast %slice3A_23 : vector<1x8x2048xf32> to vector<8x2048xf32>
    %lt3A_25 = arith.cmpf olt, %squeeze3A_24, %select_n3A : vector<8x2048xf32>
    %select_n3A_26 = arith.select %lt3A_25, %squeeze3A_24, %select_n3A : vector<8x2048xi1>, vector<8x2048xf32>
    %jit3A_27 = arith.constant 2 : i32
    %broadcast_in_dim3A_28 = vector.broadcast %jit3A_27 : i32 to vector<8x2048xi32>
    %select_n3A_29 = arith.select %lt3A_25, %broadcast_in_dim3A_28, %select_n3A_22 : vector<8x2048xi1>, vector<8x2048xi32>
    %slice3A_30 = vector.extract_strided_slice %reshape3A {offsets = [3, 0, 0], sizes = [1, 8, 2048], strides = [1, 1, 1]} : vector<128x8x2048xf32> to vector<1x8x2048xf32>
    %squeeze3A_31 = vector.shape_cast %slice3A_30 : vector<1x8x2048xf32> to vector<8x2048xf32>
    %lt3A_32 = arith.cmpf olt, %squeeze3A_31, %select_n3A_26 : vector<8x2048xf32>
    %select_n3A_33 = arith.select %lt3A_32, %squeeze3A_31, %select_n3A_26 : vector<8x2048xi1>, vector<8x2048xf32>
    %jit3A_34 = arith.constant 3 : i32
    %broadcast_in_dim3A_35 = vector.broadcast %jit3A_34 : i32 to vector<8x2048xi32>
    %select_n3A_36 = arith.select %lt3A_32, %broadcast_in_dim3A_35, %select_n3A_29 : vector<8x2048xi1>, vector<8x2048xi32>
    %slice3A_37 = vector.extract_strided_slice %reshape3A {offsets = [4, 0, 0], sizes = [1, 8, 2048], strides = [1, 1, 1]} : vector<128x8x2048xf32> to vector<1x8x2048xf32>
    %squeeze3A_38 = vector.shape_cast %slice3A_37 : vector<1x8x2048xf32> to vector<8x2048xf32>
    %lt3A_39 = arith.cmpf olt, %squeeze3A_38, %select_n3A_33 : vector<8x2048xf32>
    %select_n3A_40 = arith.select %lt3A_39, %squeeze3A_38, %select_n3A_33 : vector<8x2048xi1>, vector<8x2048xf32>
    %jit3A_41 = arith.constant 4 : i32
    %broadcast_in_dim3A_42 = vector.broadcast %jit3A_41 : i32 to vector<8x2048xi32>
    %select_n3A_43 = arith.select %lt3A_39, %broadcast_in_dim3A_42, %select_n3A_36 : vector<8x2048xi1>, vector<8x2048xi32>
    %slice3A_44 = vector.extract_strided_slice %reshape3A {offsets = [5, 0, 0], sizes = [1, 8, 2048], strides = [1, 1, 1]} : vector<128x8x2048xf32> to vector<1x8x2048xf32>
    %squeeze3A_45 = vector.shape_cast %slice3A_44 : vector<1x8x2048xf32> to vector<8x2048xf32>
    %lt3A_46 = arith.cmpf olt, %squeeze3A_45, %select_n3A_40 : vector<8x2048xf32>
    %select_n3A_47 = arith.select %lt3A_46, %squeeze3A_45, %select_n3A_40 : vector<8x2048xi1>, vector<8x2048xf32>
    %jit3A_48 = arith.constant 5 : i32
    %broadcast_in_dim3A_49 = vector.broadcast %jit3A_48 : i32 to vector<8x2048xi32>
    %select_n3A_50 = arith.select %lt3A_46, %broadcast_in_dim3A_49, %select_n3A_43 : vector<8x2048xi1>, vector<8x2048xi32>
    %slice3A_51 = vector.extract_strided_slice %reshape3A {offsets = [6, 0, 0], sizes = [1, 8, 2048], strides = [1, 1, 1]} : vector<128x8x2048xf32> to vector<1x8x2048xf32>
    %squeeze3A_52 = vector.shape_cast %slice3A_51 : vector<1x8x2048xf32> to vector<8x2048xf32>
    %lt3A_53 = arith.cmpf olt, %squeeze3A_52, %select_n3A_47 : vector<8x2048xf32>
    %select_n3A_54 = arith.select %lt3A_53, %squeeze3A_52, %select_n3A_47 : vector<8x2048xi1>, vector<8x2048xf32>
    %jit3A_55 = arith.constant 6 : i32
    %broadcast_in_dim3A_56 = vector.broadcast %jit3A_55 : i32 to vector<8x2048xi32>
    %select_n3A_57 = arith.select %lt3A_53, %broadcast_in_dim3A_56, %select_n3A_50 : vector<8x2048xi1>, vector<8x2048xi32>
    %slice3A_58 = vector.extract_strided_slice %reshape3A {offsets = [7, 0, 0], sizes = [1, 8, 2048], strides = [1, 1, 1]} : vector<128x8x2048xf32> to vector<1x8x2048xf32>
    %squeeze3A_59 = vector.shape_cast %slice3A_58 : vector<1x8x2048xf32> to vector<8x2048xf32>
    %lt3A_60 = arith.cmpf olt, %squeeze3A_59, %select_n3A_54 : vector<8x2048xf32>
    %select_n3A_61 = arith.select %lt3A_60, %squeeze3A_59, %select_n3A_54 : vector<8x2048xi1>, vector<8x2048xf32>
    %jit3A_62 = arith.constant 7 : i32
    %broadcast_in_dim3A_63 = vector.broadcast %jit3A_62 : i32 to vector<8x2048xi32>
    %select_n3A_64 = arith.select %lt3A_60, %broadcast_in_dim3A_63, %select_n3A_57 : vector<8x2048xi1>, vector<8x2048xi32>
    %slice3A_65 = vector.extract_strided_slice %reshape3A {offsets = [8, 0, 0], sizes = [1, 8, 2048], strides = [1, 1, 1]} : vector<128x8x2048xf32> to vector<1x8x2048xf32>
    %squeeze3A_66 = vector.shape_cast %slice3A_65 : vector<1x8x2048xf32> to vector<8x2048xf32>
    %lt3A_67 = arith.cmpf olt, %squeeze3A_66, %select_n3A_61 : vector<8x2048xf32>
    %select_n3A_68 = arith.select %lt3A_67, %squeeze3A_66, %select_n3A_61 : vector<8x2048xi1>, vector<8x2048xf32>
    %jit3A_69 = arith.constant 8 : i32
    %broadcast_in_dim3A_70 = vector.broadcast %jit3A_69 : i32 to vector<8x2048xi32>
    %select_n3A_71 = arith.select %lt3A_67, %broadcast_in_dim3A_70, %select_n3A_64 : vector<8x2048xi1>, vector<8x2048xi32>
    %slice3A_72 = vector.extract_strided_slice %reshape3A {offsets = [9, 0, 0], sizes = [1, 8, 2048], strides = [1, 1, 1]} : vector<128x8x2048xf32> to vector<1x8x2048xf32>
    %squeeze3A_73 = vector.shape_cast %slice3A_72 : vector<1x8x2048xf32> to vector<8x2048xf32>
    %lt3A_74 = arith.cmpf olt, %squeeze3A_73, %select_n3A_68 : vector<8x2048xf32>
    %select_n3A_75 = arith.select %lt3A_74, %squeeze3A_73, %select_n3A_68 : vector<8x2048xi1>, vector<8x2048xf32>
    %jit3A_76 = arith.constant 9 : i32
    %broadcast_in_dim3A_77 = vector.broadcast %jit3A_76 : i32 to vector<8x2048xi32>
    %select_n3A_78 = arith.select %lt3A_74, %broadcast_in_dim3A_77, %select_n3A_71 : vector<8x2048xi1>, vector<8x2048xi32>
    %slice3A_79 = vector.extract_strided_slice %reshape3A {offsets = [10, 0, 0], sizes = [1, 8, 2048], strides = [1, 1, 1]} : vector<128x8x2048xf32> to vector<1x8x2048xf32>
    %squeeze3A_80 = vector.shape_cast %slice3A_79 : vector<1x8x2048xf32> to vector<8x2048xf32>
    %lt3A_81 = arith.cmpf olt, %squeeze3A_80, %select_n3A_75 : vector<8x2048xf32>
    %select_n3A_82 = arith.select %lt3A_81, %squeeze3A_80, %select_n3A_75 : vector<8x2048xi1>, vector<8x2048xf32>
    %jit3A_83 = arith.constant 10 : i32
    %broadcast_in_dim3A_84 = vector.broadcast %jit3A_83 : i32 to vector<8x2048xi32>
    %select_n3A_85 = arith.select %lt3A_81, %broadcast_in_dim3A_84, %select_n3A_78 : vector<8x2048xi1>, vector<8x2048xi32>
    %slice3A_86 = vector.extract_strided_slice %reshape3A {offsets = [11, 0, 0], sizes = [1, 8, 2048], strides = [1, 1, 1]} : vector<128x8x2048xf32> to vector<1x8x2048xf32>
    %squeeze3A_87 = vector.shape_cast %slice3A_86 : vector<1x8x2048xf32> to vector<8x2048xf32>
    %lt3A_88 = arith.cmpf olt, %squeeze3A_87, %select_n3A_82 : vector<8x2048xf32>
    %select_n3A_89 = arith.select %lt3A_88, %squeeze3A_87, %select_n3A_82 : vector<8x2048xi1>, vector<8x2048xf32>
    %jit3A_90 = arith.constant 11 : i32
    %broadcast_in_dim3A_91 = vector.broadcast %jit3A_90 : i32 to vector<8x2048xi32>
    %select_n3A_92 = arith.select %lt3A_88, %broadcast_in_dim3A_91, %select_n3A_85 : vector<8x2048xi1>, vector<8x2048xi32>
    %slice3A_93 = vector.extract_strided_slice %reshape3A {offsets = [12, 0, 0], sizes = [1, 8, 2048], strides = [1, 1, 1]} : vector<128x8x2048xf32> to vector<1x8x2048xf32>
    %squeeze3A_94 = vector.shape_cast %slice3A_93 : vector<1x8x2048xf32> to vector<8x2048xf32>
    %lt3A_95 = arith.cmpf olt, %squeeze3A_94, %select_n3A_89 : vector<8x2048xf32>
    %select_n3A_96 = arith.select %lt3A_95, %squeeze3A_94, %select_n3A_89 : vector<8x2048xi1>, vector<8x2048xf32>
    %jit3A_97 = arith.constant 12 : i32
    %broadcast_in_dim3A_98 = vector.broadcast %jit3A_97 : i32 to vector<8x2048xi32>
    %select_n3A_99 = arith.select %lt3A_95, %broadcast_in_dim3A_98, %select_n3A_92 : vector<8x2048xi1>, vector<8x2048xi32>
    %slice3A_100 = vector.extract_strided_slice %reshape3A {offsets = [13, 0, 0], sizes = [1, 8, 2048], strides = [1, 1, 1]} : vector<128x8x2048xf32> to vector<1x8x2048xf32>
    %squeeze3A_101 = vector.shape_cast %slice3A_100 : vector<1x8x2048xf32> to vector<8x2048xf32>
    %lt3A_102 = arith.cmpf olt, %squeeze3A_101, %select_n3A_96 : vector<8x2048xf32>
    %select_n3A_103 = arith.select %lt3A_102, %squeeze3A_101, %select_n3A_96 : vector<8x2048xi1>, vector<8x2048xf32>
    %jit3A_104 = arith.constant 13 : i32
    %broadcast_in_dim3A_105 = vector.broadcast %jit3A_104 : i32 to vector<8x2048xi32>
    %select_n3A_106 = arith.select %lt3A_102, %broadcast_in_dim3A_105, %select_n3A_99 : vector<8x2048xi1>, vector<8x2048xi32>
    %slice3A_107 = vector.extract_strided_slice %reshape3A {offsets = [14, 0, 0], sizes = [1, 8, 2048], strides = [1, 1, 1]} : vector<128x8x2048xf32> to vector<1x8x2048xf32>
    %squeeze3A_108 = vector.shape_cast %slice3A_107 : vector<1x8x2048xf32> to vector<8x2048xf32>
    %lt3A_109 = arith.cmpf olt, %squeeze3A_108, %select_n3A_103 : vector<8x2048xf32>
    %select_n3A_110 = arith.select %lt3A_109, %squeeze3A_108, %select_n3A_103 : vector<8x2048xi1>, vector<8x2048xf32>
    %jit3A_111 = arith.constant 14 : i32
    %broadcast_in_dim3A_112 = vector.broadcast %jit3A_111 : i32 to vector<8x2048xi32>
    %select_n3A_113 = arith.select %lt3A_109, %broadcast_in_dim3A_112, %select_n3A_106 : vector<8x2048xi1>, vector<8x2048xi32>
    %slice3A_114 = vector.extract_strided_slice %reshape3A {offsets = [15, 0, 0], sizes = [1, 8, 2048], strides = [1, 1, 1]} : vector<128x8x2048xf32> to vector<1x8x2048xf32>
    %squeeze3A_115 = vector.shape_cast %slice3A_114 : vector<1x8x2048xf32> to vector<8x2048xf32>
    %lt3A_116 = arith.cmpf olt, %squeeze3A_115, %select_n3A_110 : vector<8x2048xf32>
    %select_n3A_117 = arith.select %lt3A_116, %squeeze3A_115, %select_n3A_110 : vector<8x2048xi1>, vector<8x2048xf32>
    %jit3A_118 = arith.constant 15 : i32
    %broadcast_in_dim3A_119 = vector.broadcast %jit3A_118 : i32 to vector<8x2048xi32>
    %select_n3A_120 = arith.select %lt3A_116, %broadcast_in_dim3A_119, %select_n3A_113 : vector<8x2048xi1>, vector<8x2048xi32>
    %slice3A_121 = vector.extract_strided_slice %reshape3A {offsets = [16, 0, 0], sizes = [1, 8, 2048], strides = [1, 1, 1]} : vector<128x8x2048xf32> to vector<1x8x2048xf32>
    %squeeze3A_122 = vector.shape_cast %slice3A_121 : vector<1x8x2048xf32> to vector<8x2048xf32>
    %lt3A_123 = arith.cmpf olt, %squeeze3A_122, %select_n3A_117 : vector<8x2048xf32>
    %select_n3A_124 = arith.select %lt3A_123, %squeeze3A_122, %select_n3A_117 : vector<8x2048xi1>, vector<8x2048xf32>
    %jit3A_125 = arith.constant 16 : i32
    %broadcast_in_dim3A_126 = vector.broadcast %jit3A_125 : i32 to vector<8x2048xi32>
    %select_n3A_127 = arith.select %lt3A_123, %broadcast_in_dim3A_126, %select_n3A_120 : vector<8x2048xi1>, vector<8x2048xi32>
    %slice3A_128 = vector.extract_strided_slice %reshape3A {offsets = [17, 0, 0], sizes = [1, 8, 2048], strides = [1, 1, 1]} : vector<128x8x2048xf32> to vector<1x8x2048xf32>
    %squeeze3A_129 = vector.shape_cast %slice3A_128 : vector<1x8x2048xf32> to vector<8x2048xf32>
    %lt3A_130 = arith.cmpf olt, %squeeze3A_129, %select_n3A_124 : vector<8x2048xf32>
    %select_n3A_131 = arith.select %lt3A_130, %squeeze3A_129, %select_n3A_124 : vector<8x2048xi1>, vector<8x2048xf32>
    %jit3A_132 = arith.constant 17 : i32
    %broadcast_in_dim3A_133 = vector.broadcast %jit3A_132 : i32 to vector<8x2048xi32>
    %select_n3A_134 = arith.select %lt3A_130, %broadcast_in_dim3A_133, %select_n3A_127 : vector<8x2048xi1>, vector<8x2048xi32>
    %slice3A_135 = vector.extract_strided_slice %reshape3A {offsets = [18, 0, 0], sizes = [1, 8, 2048], strides = [1, 1, 1]} : vector<128x8x2048xf32> to vector<1x8x2048xf32>
    %squeeze3A_136 = vector.shape_cast %slice3A_135 : vector<1x8x2048xf32> to vector<8x2048xf32>
    %lt3A_137 = arith.cmpf olt, %squeeze3A_136, %select_n3A_131 : vector<8x2048xf32>
    %select_n3A_138 = arith.select %lt3A_137, %squeeze3A_136, %select_n3A_131 : vector<8x2048xi1>, vector<8x2048xf32>
    %jit3A_139 = arith.constant 18 : i32
    %broadcast_in_dim3A_140 = vector.broadcast %jit3A_139 : i32 to vector<8x2048xi32>
    %select_n3A_141 = arith.select %lt3A_137, %broadcast_in_dim3A_140, %select_n3A_134 : vector<8x2048xi1>, vector<8x2048xi32>
    %slice3A_142 = vector.extract_strided_slice %reshape3A {offsets = [19, 0, 0], sizes = [1, 8, 2048], strides = [1, 1, 1]} : vector<128x8x2048xf32> to vector<1x8x2048xf32>
    %squeeze3A_143 = vector.shape_cast %slice3A_142 : vector<1x8x2048xf32> to vector<8x2048xf32>
    %lt3A_144 = arith.cmpf olt, %squeeze3A_143, %select_n3A_138 : vector<8x2048xf32>
    %select_n3A_145 = arith.select %lt3A_144, %squeeze3A_143, %select_n3A_138 : vector<8x2048xi1>, vector<8x2048xf32>
    %jit3A_146 = arith.constant 19 : i32
    %broadcast_in_dim3A_147 = vector.broadcast %jit3A_146 : i32 to vector<8x2048xi32>
    %select_n3A_148 = arith.select %lt3A_144, %broadcast_in_dim3A_147, %select_n3A_141 : vector<8x2048xi1>, vector<8x2048xi32>
    %slice3A_149 = vector.extract_strided_slice %reshape3A {offsets = [20, 0, 0], sizes = [1, 8, 2048], strides = [1, 1, 1]} : vector<128x8x2048xf32> to vector<1x8x2048xf32>
    %squeeze3A_150 = vector.shape_cast %slice3A_149 : vector<1x8x2048xf32> to vector<8x2048xf32>
    %lt3A_151 = arith.cmpf olt, %squeeze3A_150, %select_n3A_145 : vector<8x2048xf32>
    %select_n3A_152 = arith.select %lt3A_151, %squeeze3A_150, %select_n3A_145 : vector<8x2048xi1>, vector<8x2048xf32>
    %jit3A_153 = arith.constant 20 : i32
    %broadcast_in_dim3A_154 = vector.broadcast %jit3A_153 : i32 to vector<8x2048xi32>
    %select_n3A_155 = arith.select %lt3A_151, %broadcast_in_dim3A_154, %select_n3A_148 : vector<8x2048xi1>, vector<8x2048xi32>
    %slice3A_156 = vector.extract_strided_slice %reshape3A {offsets = [21, 0, 0], sizes = [1, 8, 2048], strides = [1, 1, 1]} : vector<128x8x2048xf32> to vector<1x8x2048xf32>
    %squeeze3A_157 = vector.shape_cast %slice3A_156 : vector<1x8x2048xf32> to vector<8x2048xf32>
    %lt3A_158 = arith.cmpf olt, %squeeze3A_157, %select_n3A_152 : vector<8x2048xf32>
    %select_n3A_159 = arith.select %lt3A_158, %squeeze3A_157, %select_n3A_152 : vector<8x2048xi1>, vector<8x2048xf32>
    %jit3A_160 = arith.constant 21 : i32
    %broadcast_in_dim3A_161 = vector.broadcast %jit3A_160 : i32 to vector<8x2048xi32>
    %select_n3A_162 = arith.select %lt3A_158, %broadcast_in_dim3A_161, %select_n3A_155 : vector<8x2048xi1>, vector<8x2048xi32>
    %slice3A_163 = vector.extract_strided_slice %reshape3A {offsets = [22, 0, 0], sizes = [1, 8, 2048], strides = [1, 1, 1]} : vector<128x8x2048xf32> to vector<1x8x2048xf32>
    %squeeze3A_164 = vector.shape_cast %slice3A_163 : vector<1x8x2048xf32> to vector<8x2048xf32>
    %lt3A_165 = arith.cmpf olt, %squeeze3A_164, %select_n3A_159 : vector<8x2048xf32>
    %select_n3A_166 = arith.select %lt3A_165, %squeeze3A_164, %select_n3A_159 : vector<8x2048xi1>, vector<8x2048xf32>
    %jit3A_167 = arith.constant 22 : i32
    %broadcast_in_dim3A_168 = vector.broadcast %jit3A_167 : i32 to vector<8x2048xi32>
    %select_n3A_169 = arith.select %lt3A_165, %broadcast_in_dim3A_168, %select_n3A_162 : vector<8x2048xi1>, vector<8x2048xi32>
    %slice3A_170 = vector.extract_strided_slice %reshape3A {offsets = [23, 0, 0], sizes = [1, 8, 2048], strides = [1, 1, 1]} : vector<128x8x2048xf32> to vector<1x8x2048xf32>
    %squeeze3A_171 = vector.shape_cast %slice3A_170 : vector<1x8x2048xf32> to vector<8x2048xf32>
    %lt3A_172 = arith.cmpf olt, %squeeze3A_171, %select_n3A_166 : vector<8x2048xf32>
    %select_n3A_173 = arith.select %lt3A_172, %squeeze3A_171, %select_n3A_166 : vector<8x2048xi1>, vector<8x2048xf32>
    %jit3A_174 = arith.constant 23 : i32
    %broadcast_in_dim3A_175 = vector.broadcast %jit3A_174 : i32 to vector<8x2048xi32>
    %select_n3A_176 = arith.select %lt3A_172, %broadcast_in_dim3A_175, %select_n3A_169 : vector<8x2048xi1>, vector<8x2048xi32>
    %slice3A_177 = vector.extract_strided_slice %reshape3A {offsets = [24, 0, 0], sizes = [1, 8, 2048], strides = [1, 1, 1]} : vector<128x8x2048xf32> to vector<1x8x2048xf32>
    %squeeze3A_178 = vector.shape_cast %slice3A_177 : vector<1x8x2048xf32> to vector<8x2048xf32>
    %lt3A_179 = arith.cmpf olt, %squeeze3A_178, %select_n3A_173 : vector<8x2048xf32>
    %select_n3A_180 = arith.select %lt3A_179, %squeeze3A_178, %select_n3A_173 : vector<8x2048xi1>, vector<8x2048xf32>
    %jit3A_181 = arith.constant 24 : i32
    %broadcast_in_dim3A_182 = vector.broadcast %jit3A_181 : i32 to vector<8x2048xi32>
    %select_n3A_183 = arith.select %lt3A_179, %broadcast_in_dim3A_182, %select_n3A_176 : vector<8x2048xi1>, vector<8x2048xi32>
    %slice3A_184 = vector.extract_strided_slice %reshape3A {offsets = [25, 0, 0], sizes = [1, 8, 2048], strides = [1, 1, 1]} : vector<128x8x2048xf32> to vector<1x8x2048xf32>
    %squeeze3A_185 = vector.shape_cast %slice3A_184 : vector<1x8x2048xf32> to vector<8x2048xf32>
    %lt3A_186 = arith.cmpf olt, %squeeze3A_185, %select_n3A_180 : vector<8x2048xf32>
    %select_n3A_187 = arith.select %lt3A_186, %squeeze3A_185, %select_n3A_180 : vector<8x2048xi1>, vector<8x2048xf32>
    %jit3A_188 = arith.constant 25 : i32
    %broadcast_in_dim3A_189 = vector.broadcast %jit3A_188 : i32 to vector<8x2048xi32>
    %select_n3A_190 = arith.select %lt3A_186, %broadcast_in_dim3A_189, %select_n3A_183 : vector<8x2048xi1>, vector<8x2048xi32>
    %slice3A_191 = vector.extract_strided_slice %reshape3A {offsets = [26, 0, 0], sizes = [1, 8, 2048], strides = [1, 1, 1]} : vector<128x8x2048xf32> to vector<1x8x2048xf32>
    %squeeze3A_192 = vector.shape_cast %slice3A_191 : vector<1x8x2048xf32> to vector<8x2048xf32>
    %lt3A_193 = arith.cmpf olt, %squeeze3A_192, %select_n3A_187 : vector<8x2048xf32>
    %select_n3A_194 = arith.select %lt3A_193, %squeeze3A_192, %select_n3A_187 : vector<8x2048xi1>, vector<8x2048xf32>
    %jit3A_195 = arith.constant 26 : i32
    %broadcast_in_dim3A_196 = vector.broadcast %jit3A_195 : i32 to vector<8x2048xi32>
    %select_n3A_197 = arith.select %lt3A_193, %broadcast_in_dim3A_196, %select_n3A_190 : vector<8x2048xi1>, vector<8x2048xi32>
    %slice3A_198 = vector.extract_strided_slice %reshape3A {offsets = [27, 0, 0], sizes = [1, 8, 2048], strides = [1, 1, 1]} : vector<128x8x2048xf32> to vector<1x8x2048xf32>
    %squeeze3A_199 = vector.shape_cast %slice3A_198 : vector<1x8x2048xf32> to vector<8x2048xf32>
    %lt3A_200 = arith.cmpf olt, %squeeze3A_199, %select_n3A_194 : vector<8x2048xf32>
    %select_n3A_201 = arith.select %lt3A_200, %squeeze3A_199, %select_n3A_194 : vector<8x2048xi1>, vector<8x2048xf32>
    %jit3A_202 = arith.constant 27 : i32
    %broadcast_in_dim3A_203 = vector.broadcast %jit3A_202 : i32 to vector<8x2048xi32>
    %select_n3A_204 = arith.select %lt3A_200, %broadcast_in_dim3A_203, %select_n3A_197 : vector<8x2048xi1>, vector<8x2048xi32>
    %slice3A_205 = vector.extract_strided_slice %reshape3A {offsets = [28, 0, 0], sizes = [1, 8, 2048], strides = [1, 1, 1]} : vector<128x8x2048xf32> to vector<1x8x2048xf32>
    %squeeze3A_206 = vector.shape_cast %slice3A_205 : vector<1x8x2048xf32> to vector<8x2048xf32>
    %lt3A_207 = arith.cmpf olt, %squeeze3A_206, %select_n3A_201 : vector<8x2048xf32>
    %select_n3A_208 = arith.select %lt3A_207, %squeeze3A_206, %select_n3A_201 : vector<8x2048xi1>, vector<8x2048xf32>
    %jit3A_209 = arith.constant 28 : i32
    %broadcast_in_dim3A_210 = vector.broadcast %jit3A_209 : i32 to vector<8x2048xi32>
    %select_n3A_211 = arith.select %lt3A_207, %broadcast_in_dim3A_210, %select_n3A_204 : vector<8x2048xi1>, vector<8x2048xi32>
    %slice3A_212 = vector.extract_strided_slice %reshape3A {offsets = [29, 0, 0], sizes = [1, 8, 2048], strides = [1, 1, 1]} : vector<128x8x2048xf32> to vector<1x8x2048xf32>
    %squeeze3A_213 = vector.shape_cast %slice3A_212 : vector<1x8x2048xf32> to vector<8x2048xf32>
    %lt3A_214 = arith.cmpf olt, %squeeze3A_213, %select_n3A_208 : vector<8x2048xf32>
    %select_n3A_215 = arith.select %lt3A_214, %squeeze3A_213, %select_n3A_208 : vector<8x2048xi1>, vector<8x2048xf32>
    %jit3A_216 = arith.constant 29 : i32
    %broadcast_in_dim3A_217 = vector.broadcast %jit3A_216 : i32 to vector<8x2048xi32>
    %select_n3A_218 = arith.select %lt3A_214, %broadcast_in_dim3A_217, %select_n3A_211 : vector<8x2048xi1>, vector<8x2048xi32>
    %slice3A_219 = vector.extract_strided_slice %reshape3A {offsets = [30, 0, 0], sizes = [1, 8, 2048], strides = [1, 1, 1]} : vector<128x8x2048xf32> to vector<1x8x2048xf32>
    %squeeze3A_220 = vector.shape_cast %slice3A_219 : vector<1x8x2048xf32> to vector<8x2048xf32>
    %lt3A_221 = arith.cmpf olt, %squeeze3A_220, %select_n3A_215 : vector<8x2048xf32>
    %select_n3A_222 = arith.select %lt3A_221, %squeeze3A_220, %select_n3A_215 : vector<8x2048xi1>, vector<8x2048xf32>
    %jit3A_223 = arith.constant 30 : i32
    %broadcast_in_dim3A_224 = vector.broadcast %jit3A_223 : i32 to vector<8x2048xi32>
    %select_n3A_225 = arith.select %lt3A_221, %broadcast_in_dim3A_224, %select_n3A_218 : vector<8x2048xi1>, vector<8x2048xi32>
    %slice3A_226 = vector.extract_strided_slice %reshape3A {offsets = [31, 0, 0], sizes = [1, 8, 2048], strides = [1, 1, 1]} : vector<128x8x2048xf32> to vector<1x8x2048xf32>
    %squeeze3A_227 = vector.shape_cast %slice3A_226 : vector<1x8x2048xf32> to vector<8x2048xf32>
    %lt3A_228 = arith.cmpf olt, %squeeze3A_227, %select_n3A_222 : vector<8x2048xf32>
    %select_n3A_229 = arith.select %lt3A_228, %squeeze3A_227, %select_n3A_222 : vector<8x2048xi1>, vector<8x2048xf32>
    %jit3A_230 = arith.constant 31 : i32
    %broadcast_in_dim3A_231 = vector.broadcast %jit3A_230 : i32 to vector<8x2048xi32>
    %select_n3A_232 = arith.select %lt3A_228, %broadcast_in_dim3A_231, %select_n3A_225 : vector<8x2048xi1>, vector<8x2048xi32>
    %slice3A_233 = vector.extract_strided_slice %reshape3A {offsets = [32, 0, 0], sizes = [1, 8, 2048], strides = [1, 1, 1]} : vector<128x8x2048xf32> to vector<1x8x2048xf32>
    %squeeze3A_234 = vector.shape_cast %slice3A_233 : vector<1x8x2048xf32> to vector<8x2048xf32>
    %lt3A_235 = arith.cmpf olt, %squeeze3A_234, %select_n3A_229 : vector<8x2048xf32>
    %select_n3A_236 = arith.select %lt3A_235, %squeeze3A_234, %select_n3A_229 : vector<8x2048xi1>, vector<8x2048xf32>
    %jit3A_237 = arith.constant 32 : i32
    %broadcast_in_dim3A_238 = vector.broadcast %jit3A_237 : i32 to vector<8x2048xi32>
    %select_n3A_239 = arith.select %lt3A_235, %broadcast_in_dim3A_238, %select_n3A_232 : vector<8x2048xi1>, vector<8x2048xi32>
    %slice3A_240 = vector.extract_strided_slice %reshape3A {offsets = [33, 0, 0], sizes = [1, 8, 2048], strides = [1, 1, 1]} : vector<128x8x2048xf32> to vector<1x8x2048xf32>
    %squeeze3A_241 = vector.shape_cast %slice3A_240 : vector<1x8x2048xf32> to vector<8x2048xf32>
    %lt3A_242 = arith.cmpf olt, %squeeze3A_241, %select_n3A_236 : vector<8x2048xf32>
    %select_n3A_243 = arith.select %lt3A_242, %squeeze3A_241, %select_n3A_236 : vector<8x2048xi1>, vector<8x2048xf32>
    %jit3A_244 = arith.constant 33 : i32
    %broadcast_in_dim3A_245 = vector.broadcast %jit3A_244 : i32 to vector<8x2048xi32>
    %select_n3A_246 = arith.select %lt3A_242, %broadcast_in_dim3A_245, %select_n3A_239 : vector<8x2048xi1>, vector<8x2048xi32>
    %slice3A_247 = vector.extract_strided_slice %reshape3A {offsets = [34, 0, 0], sizes = [1, 8, 2048], strides = [1, 1, 1]} : vector<128x8x2048xf32> to vector<1x8x2048xf32>
    %squeeze3A_248 = vector.shape_cast %slice3A_247 : vector<1x8x2048xf32> to vector<8x2048xf32>
    %lt3A_249 = arith.cmpf olt, %squeeze3A_248, %select_n3A_243 : vector<8x2048xf32>
    %select_n3A_250 = arith.select %lt3A_249, %squeeze3A_248, %select_n3A_243 : vector<8x2048xi1>, vector<8x2048xf32>
    %jit3A_251 = arith.constant 34 : i32
    %broadcast_in_dim3A_252 = vector.broadcast %jit3A_251 : i32 to vector<8x2048xi32>
    %select_n3A_253 = arith.select %lt3A_249, %broadcast_in_dim3A_252, %select_n3A_246 : vector<8x2048xi1>, vector<8x2048xi32>
    %slice3A_254 = vector.extract_strided_slice %reshape3A {offsets = [35, 0, 0], sizes = [1, 8, 2048], strides = [1, 1, 1]} : vector<128x8x2048xf32> to vector<1x8x2048xf32>
    %squeeze3A_255 = vector.shape_cast %slice3A_254 : vector<1x8x2048xf32> to vector<8x2048xf32>
    %lt3A_256 = arith.cmpf olt, %squeeze3A_255, %select_n3A_250 : vector<8x2048xf32>
    %select_n3A_257 = arith.select %lt3A_256, %squeeze3A_255, %select_n3A_250 : vector<8x2048xi1>, vector<8x2048xf32>
    %jit3A_258 = arith.constant 35 : i32
    %broadcast_in_dim3A_259 = vector.broadcast %jit3A_258 : i32 to vector<8x2048xi32>
    %select_n3A_260 = arith.select %lt3A_256, %broadcast_in_dim3A_259, %select_n3A_253 : vector<8x2048xi1>, vector<8x2048xi32>
    %slice3A_261 = vector.extract_strided_slice %reshape3A {offsets = [36, 0, 0], sizes = [1, 8, 2048], strides = [1, 1, 1]} : vector<128x8x2048xf32> to vector<1x8x2048xf32>
    %squeeze3A_262 = vector.shape_cast %slice3A_261 : vector<1x8x2048xf32> to vector<8x2048xf32>
    %lt3A_263 = arith.cmpf olt, %squeeze3A_262, %select_n3A_257 : vector<8x2048xf32>
    %select_n3A_264 = arith.select %lt3A_263, %squeeze3A_262, %select_n3A_257 : vector<8x2048xi1>, vector<8x2048xf32>
    %jit3A_265 = arith.constant 36 : i32
    %broadcast_in_dim3A_266 = vector.broadcast %jit3A_265 : i32 to vector<8x2048xi32>
    %select_n3A_267 = arith.select %lt3A_263, %broadcast_in_dim3A_266, %select_n3A_260 : vector<8x2048xi1>, vector<8x2048xi32>
    %slice3A_268 = vector.extract_strided_slice %reshape3A {offsets = [37, 0, 0], sizes = [1, 8, 2048], strides = [1, 1, 1]} : vector<128x8x2048xf32> to vector<1x8x2048xf32>
    %squeeze3A_269 = vector.shape_cast %slice3A_268 : vector<1x8x2048xf32> to vector<8x2048xf32>
    %lt3A_270 = arith.cmpf olt, %squeeze3A_269, %select_n3A_264 : vector<8x2048xf32>
    %select_n3A_271 = arith.select %lt3A_270, %squeeze3A_269, %select_n3A_264 : vector<8x2048xi1>, vector<8x2048xf32>
    %jit3A_272 = arith.constant 37 : i32
    %broadcast_in_dim3A_273 = vector.broadcast %jit3A_272 : i32 to vector<8x2048xi32>
    %select_n3A_274 = arith.select %lt3A_270, %broadcast_in_dim3A_273, %select_n3A_267 : vector<8x2048xi1>, vector<8x2048xi32>
    %slice3A_275 = vector.extract_strided_slice %reshape3A {offsets = [38, 0, 0], sizes = [1, 8, 2048], strides = [1, 1, 1]} : vector<128x8x2048xf32> to vector<1x8x2048xf32>
    %squeeze3A_276 = vector.shape_cast %slice3A_275 : vector<1x8x2048xf32> to vector<8x2048xf32>
    %lt3A_277 = arith.cmpf olt, %squeeze3A_276, %select_n3A_271 : vector<8x2048xf32>
    %select_n3A_278 = arith.select %lt3A_277, %squeeze3A_276, %select_n3A_271 : vector<8x2048xi1>, vector<8x2048xf32>
    %jit3A_279 = arith.constant 38 : i32
    %broadcast_in_dim3A_280 = vector.broadcast %jit3A_279 : i32 to vector<8x2048xi32>
    %select_n3A_281 = arith.select %lt3A_277, %broadcast_in_dim3A_280, %select_n3A_274 : vector<8x2048xi1>, vector<8x2048xi32>
    %slice3A_282 = vector.extract_strided_slice %reshape3A {offsets = [39, 0, 0], sizes = [1, 8, 2048], strides = [1, 1, 1]} : vector<128x8x2048xf32> to vector<1x8x2048xf32>
    %squeeze3A_283 = vector.shape_cast %slice3A_282 : vector<1x8x2048xf32> to vector<8x2048xf32>
    %lt3A_284 = arith.cmpf olt, %squeeze3A_283, %select_n3A_278 : vector<8x2048xf32>
    %select_n3A_285 = arith.select %lt3A_284, %squeeze3A_283, %select_n3A_278 : vector<8x2048xi1>, vector<8x2048xf32>
    %jit3A_286 = arith.constant 39 : i32
    %broadcast_in_dim3A_287 = vector.broadcast %jit3A_286 : i32 to vector<8x2048xi32>
    %select_n3A_288 = arith.select %lt3A_284, %broadcast_in_dim3A_287, %select_n3A_281 : vector<8x2048xi1>, vector<8x2048xi32>
    %slice3A_289 = vector.extract_strided_slice %reshape3A {offsets = [40, 0, 0], sizes = [1, 8, 2048], strides = [1, 1, 1]} : vector<128x8x2048xf32> to vector<1x8x2048xf32>
    %squeeze3A_290 = vector.shape_cast %slice3A_289 : vector<1x8x2048xf32> to vector<8x2048xf32>
    %lt3A_291 = arith.cmpf olt, %squeeze3A_290, %select_n3A_285 : vector<8x2048xf32>
    %select_n3A_292 = arith.select %lt3A_291, %squeeze3A_290, %select_n3A_285 : vector<8x2048xi1>, vector<8x2048xf32>
    %jit3A_293 = arith.constant 40 : i32
    %broadcast_in_dim3A_294 = vector.broadcast %jit3A_293 : i32 to vector<8x2048xi32>
    %select_n3A_295 = arith.select %lt3A_291, %broadcast_in_dim3A_294, %select_n3A_288 : vector<8x2048xi1>, vector<8x2048xi32>
    %slice3A_296 = vector.extract_strided_slice %reshape3A {offsets = [41, 0, 0], sizes = [1, 8, 2048], strides = [1, 1, 1]} : vector<128x8x2048xf32> to vector<1x8x2048xf32>
    %squeeze3A_297 = vector.shape_cast %slice3A_296 : vector<1x8x2048xf32> to vector<8x2048xf32>
    %lt3A_298 = arith.cmpf olt, %squeeze3A_297, %select_n3A_292 : vector<8x2048xf32>
    %select_n3A_299 = arith.select %lt3A_298, %squeeze3A_297, %select_n3A_292 : vector<8x2048xi1>, vector<8x2048xf32>
    %jit3A_300 = arith.constant 41 : i32
    %broadcast_in_dim3A_301 = vector.broadcast %jit3A_300 : i32 to vector<8x2048xi32>
    %select_n3A_302 = arith.select %lt3A_298, %broadcast_in_dim3A_301, %select_n3A_295 : vector<8x2048xi1>, vector<8x2048xi32>
    %slice3A_303 = vector.extract_strided_slice %reshape3A {offsets = [42, 0, 0], sizes = [1, 8, 2048], strides = [1, 1, 1]} : vector<128x8x2048xf32> to vector<1x8x2048xf32>
    %squeeze3A_304 = vector.shape_cast %slice3A_303 : vector<1x8x2048xf32> to vector<8x2048xf32>
    %lt3A_305 = arith.cmpf olt, %squeeze3A_304, %select_n3A_299 : vector<8x2048xf32>
    %select_n3A_306 = arith.select %lt3A_305, %squeeze3A_304, %select_n3A_299 : vector<8x2048xi1>, vector<8x2048xf32>
    %jit3A_307 = arith.constant 42 : i32
    %broadcast_in_dim3A_308 = vector.broadcast %jit3A_307 : i32 to vector<8x2048xi32>
    %select_n3A_309 = arith.select %lt3A_305, %broadcast_in_dim3A_308, %select_n3A_302 : vector<8x2048xi1>, vector<8x2048xi32>
    %slice3A_310 = vector.extract_strided_slice %reshape3A {offsets = [43, 0, 0], sizes = [1, 8, 2048], strides = [1, 1, 1]} : vector<128x8x2048xf32> to vector<1x8x2048xf32>
    %squeeze3A_311 = vector.shape_cast %slice3A_310 : vector<1x8x2048xf32> to vector<8x2048xf32>
    %lt3A_312 = arith.cmpf olt, %squeeze3A_311, %select_n3A_306 : vector<8x2048xf32>
    %select_n3A_313 = arith.select %lt3A_312, %squeeze3A_311, %select_n3A_306 : vector<8x2048xi1>, vector<8x2048xf32>
    %jit3A_314 = arith.constant 43 : i32
    %broadcast_in_dim3A_315 = vector.broadcast %jit3A_314 : i32 to vector<8x2048xi32>
    %select_n3A_316 = arith.select %lt3A_312, %broadcast_in_dim3A_315, %select_n3A_309 : vector<8x2048xi1>, vector<8x2048xi32>
    %slice3A_317 = vector.extract_strided_slice %reshape3A {offsets = [44, 0, 0], sizes = [1, 8, 2048], strides = [1, 1, 1]} : vector<128x8x2048xf32> to vector<1x8x2048xf32>
    %squeeze3A_318 = vector.shape_cast %slice3A_317 : vector<1x8x2048xf32> to vector<8x2048xf32>
    %lt3A_319 = arith.cmpf olt, %squeeze3A_318, %select_n3A_313 : vector<8x2048xf32>
    %select_n3A_320 = arith.select %lt3A_319, %squeeze3A_318, %select_n3A_313 : vector<8x2048xi1>, vector<8x2048xf32>
    %jit3A_321 = arith.constant 44 : i32
    %broadcast_in_dim3A_322 = vector.broadcast %jit3A_321 : i32 to vector<8x2048xi32>
    %select_n3A_323 = arith.select %lt3A_319, %broadcast_in_dim3A_322, %select_n3A_316 : vector<8x2048xi1>, vector<8x2048xi32>
    %slice3A_324 = vector.extract_strided_slice %reshape3A {offsets = [45, 0, 0], sizes = [1, 8, 2048], strides = [1, 1, 1]} : vector<128x8x2048xf32> to vector<1x8x2048xf32>
    %squeeze3A_325 = vector.shape_cast %slice3A_324 : vector<1x8x2048xf32> to vector<8x2048xf32>
    %lt3A_326 = arith.cmpf olt, %squeeze3A_325, %select_n3A_320 : vector<8x2048xf32>
    %select_n3A_327 = arith.select %lt3A_326, %squeeze3A_325, %select_n3A_320 : vector<8x2048xi1>, vector<8x2048xf32>
    %jit3A_328 = arith.constant 45 : i32
    %broadcast_in_dim3A_329 = vector.broadcast %jit3A_328 : i32 to vector<8x2048xi32>
    %select_n3A_330 = arith.select %lt3A_326, %broadcast_in_dim3A_329, %select_n3A_323 : vector<8x2048xi1>, vector<8x2048xi32>
    %slice3A_331 = vector.extract_strided_slice %reshape3A {offsets = [46, 0, 0], sizes = [1, 8, 2048], strides = [1, 1, 1]} : vector<128x8x2048xf32> to vector<1x8x2048xf32>
    %squeeze3A_332 = vector.shape_cast %slice3A_331 : vector<1x8x2048xf32> to vector<8x2048xf32>
    %lt3A_333 = arith.cmpf olt, %squeeze3A_332, %select_n3A_327 : vector<8x2048xf32>
    %select_n3A_334 = arith.select %lt3A_333, %squeeze3A_332, %select_n3A_327 : vector<8x2048xi1>, vector<8x2048xf32>
    %jit3A_335 = arith.constant 46 : i32
    %broadcast_in_dim3A_336 = vector.broadcast %jit3A_335 : i32 to vector<8x2048xi32>
    %select_n3A_337 = arith.select %lt3A_333, %broadcast_in_dim3A_336, %select_n3A_330 : vector<8x2048xi1>, vector<8x2048xi32>
    %slice3A_338 = vector.extract_strided_slice %reshape3A {offsets = [47, 0, 0], sizes = [1, 8, 2048], strides = [1, 1, 1]} : vector<128x8x2048xf32> to vector<1x8x2048xf32>
    %squeeze3A_339 = vector.shape_cast %slice3A_338 : vector<1x8x2048xf32> to vector<8x2048xf32>
    %lt3A_340 = arith.cmpf olt, %squeeze3A_339, %select_n3A_334 : vector<8x2048xf32>
    %select_n3A_341 = arith.select %lt3A_340, %squeeze3A_339, %select_n3A_334 : vector<8x2048xi1>, vector<8x2048xf32>
    %jit3A_342 = arith.constant 47 : i32
    %broadcast_in_dim3A_343 = vector.broadcast %jit3A_342 : i32 to vector<8x2048xi32>
    %select_n3A_344 = arith.select %lt3A_340, %broadcast_in_dim3A_343, %select_n3A_337 : vector<8x2048xi1>, vector<8x2048xi32>
    %slice3A_345 = vector.extract_strided_slice %reshape3A {offsets = [48, 0, 0], sizes = [1, 8, 2048], strides = [1, 1, 1]} : vector<128x8x2048xf32> to vector<1x8x2048xf32>
    %squeeze3A_346 = vector.shape_cast %slice3A_345 : vector<1x8x2048xf32> to vector<8x2048xf32>
    %lt3A_347 = arith.cmpf olt, %squeeze3A_346, %select_n3A_341 : vector<8x2048xf32>
    %select_n3A_348 = arith.select %lt3A_347, %squeeze3A_346, %select_n3A_341 : vector<8x2048xi1>, vector<8x2048xf32>
    %jit3A_349 = arith.constant 48 : i32
    %broadcast_in_dim3A_350 = vector.broadcast %jit3A_349 : i32 to vector<8x2048xi32>
    %select_n3A_351 = arith.select %lt3A_347, %broadcast_in_dim3A_350, %select_n3A_344 : vector<8x2048xi1>, vector<8x2048xi32>
    %slice3A_352 = vector.extract_strided_slice %reshape3A {offsets = [49, 0, 0], sizes = [1, 8, 2048], strides = [1, 1, 1]} : vector<128x8x2048xf32> to vector<1x8x2048xf32>
    %squeeze3A_353 = vector.shape_cast %slice3A_352 : vector<1x8x2048xf32> to vector<8x2048xf32>
    %lt3A_354 = arith.cmpf olt, %squeeze3A_353, %select_n3A_348 : vector<8x2048xf32>
    %select_n3A_355 = arith.select %lt3A_354, %squeeze3A_353, %select_n3A_348 : vector<8x2048xi1>, vector<8x2048xf32>
    %jit3A_356 = arith.constant 49 : i32
    %broadcast_in_dim3A_357 = vector.broadcast %jit3A_356 : i32 to vector<8x2048xi32>
    %select_n3A_358 = arith.select %lt3A_354, %broadcast_in_dim3A_357, %select_n3A_351 : vector<8x2048xi1>, vector<8x2048xi32>
    %slice3A_359 = vector.extract_strided_slice %reshape3A {offsets = [50, 0, 0], sizes = [1, 8, 2048], strides = [1, 1, 1]} : vector<128x8x2048xf32> to vector<1x8x2048xf32>
    %squeeze3A_360 = vector.shape_cast %slice3A_359 : vector<1x8x2048xf32> to vector<8x2048xf32>
    %lt3A_361 = arith.cmpf olt, %squeeze3A_360, %select_n3A_355 : vector<8x2048xf32>
    %select_n3A_362 = arith.select %lt3A_361, %squeeze3A_360, %select_n3A_355 : vector<8x2048xi1>, vector<8x2048xf32>
    %jit3A_363 = arith.constant 50 : i32
    %broadcast_in_dim3A_364 = vector.broadcast %jit3A_363 : i32 to vector<8x2048xi32>
    %select_n3A_365 = arith.select %lt3A_361, %broadcast_in_dim3A_364, %select_n3A_358 : vector<8x2048xi1>, vector<8x2048xi32>
    %slice3A_366 = vector.extract_strided_slice %reshape3A {offsets = [51, 0, 0], sizes = [1, 8, 2048], strides = [1, 1, 1]} : vector<128x8x2048xf32> to vector<1x8x2048xf32>
    %squeeze3A_367 = vector.shape_cast %slice3A_366 : vector<1x8x2048xf32> to vector<8x2048xf32>
    %lt3A_368 = arith.cmpf olt, %squeeze3A_367, %select_n3A_362 : vector<8x2048xf32>
    %select_n3A_369 = arith.select %lt3A_368, %squeeze3A_367, %select_n3A_362 : vector<8x2048xi1>, vector<8x2048xf32>
    %jit3A_370 = arith.constant 51 : i32
    %broadcast_in_dim3A_371 = vector.broadcast %jit3A_370 : i32 to vector<8x2048xi32>
    %select_n3A_372 = arith.select %lt3A_368, %broadcast_in_dim3A_371, %select_n3A_365 : vector<8x2048xi1>, vector<8x2048xi32>
    %slice3A_373 = vector.extract_strided_slice %reshape3A {offsets = [52, 0, 0], sizes = [1, 8, 2048], strides = [1, 1, 1]} : vector<128x8x2048xf32> to vector<1x8x2048xf32>
    %squeeze3A_374 = vector.shape_cast %slice3A_373 : vector<1x8x2048xf32> to vector<8x2048xf32>
    %lt3A_375 = arith.cmpf olt, %squeeze3A_374, %select_n3A_369 : vector<8x2048xf32>
    %select_n3A_376 = arith.select %lt3A_375, %squeeze3A_374, %select_n3A_369 : vector<8x2048xi1>, vector<8x2048xf32>
    %jit3A_377 = arith.constant 52 : i32
    %broadcast_in_dim3A_378 = vector.broadcast %jit3A_377 : i32 to vector<8x2048xi32>
    %select_n3A_379 = arith.select %lt3A_375, %broadcast_in_dim3A_378, %select_n3A_372 : vector<8x2048xi1>, vector<8x2048xi32>
    %slice3A_380 = vector.extract_strided_slice %reshape3A {offsets = [53, 0, 0], sizes = [1, 8, 2048], strides = [1, 1, 1]} : vector<128x8x2048xf32> to vector<1x8x2048xf32>
    %squeeze3A_381 = vector.shape_cast %slice3A_380 : vector<1x8x2048xf32> to vector<8x2048xf32>
    %lt3A_382 = arith.cmpf olt, %squeeze3A_381, %select_n3A_376 : vector<8x2048xf32>
    %select_n3A_383 = arith.select %lt3A_382, %squeeze3A_381, %select_n3A_376 : vector<8x2048xi1>, vector<8x2048xf32>
    %jit3A_384 = arith.constant 53 : i32
    %broadcast_in_dim3A_385 = vector.broadcast %jit3A_384 : i32 to vector<8x2048xi32>
    %select_n3A_386 = arith.select %lt3A_382, %broadcast_in_dim3A_385, %select_n3A_379 : vector<8x2048xi1>, vector<8x2048xi32>
    %slice3A_387 = vector.extract_strided_slice %reshape3A {offsets = [54, 0, 0], sizes = [1, 8, 2048], strides = [1, 1, 1]} : vector<128x8x2048xf32> to vector<1x8x2048xf32>
    %squeeze3A_388 = vector.shape_cast %slice3A_387 : vector<1x8x2048xf32> to vector<8x2048xf32>
    %lt3A_389 = arith.cmpf olt, %squeeze3A_388, %select_n3A_383 : vector<8x2048xf32>
    %select_n3A_390 = arith.select %lt3A_389, %squeeze3A_388, %select_n3A_383 : vector<8x2048xi1>, vector<8x2048xf32>
    %jit3A_391 = arith.constant 54 : i32
    %broadcast_in_dim3A_392 = vector.broadcast %jit3A_391 : i32 to vector<8x2048xi32>
    %select_n3A_393 = arith.select %lt3A_389, %broadcast_in_dim3A_392, %select_n3A_386 : vector<8x2048xi1>, vector<8x2048xi32>
    %slice3A_394 = vector.extract_strided_slice %reshape3A {offsets = [55, 0, 0], sizes = [1, 8, 2048], strides = [1, 1, 1]} : vector<128x8x2048xf32> to vector<1x8x2048xf32>
    %squeeze3A_395 = vector.shape_cast %slice3A_394 : vector<1x8x2048xf32> to vector<8x2048xf32>
    %lt3A_396 = arith.cmpf olt, %squeeze3A_395, %select_n3A_390 : vector<8x2048xf32>
    %select_n3A_397 = arith.select %lt3A_396, %squeeze3A_395, %select_n3A_390 : vector<8x2048xi1>, vector<8x2048xf32>
    %jit3A_398 = arith.constant 55 : i32
    %broadcast_in_dim3A_399 = vector.broadcast %jit3A_398 : i32 to vector<8x2048xi32>
    %select_n3A_400 = arith.select %lt3A_396, %broadcast_in_dim3A_399, %select_n3A_393 : vector<8x2048xi1>, vector<8x2048xi32>
    %slice3A_401 = vector.extract_strided_slice %reshape3A {offsets = [56, 0, 0], sizes = [1, 8, 2048], strides = [1, 1, 1]} : vector<128x8x2048xf32> to vector<1x8x2048xf32>
    %squeeze3A_402 = vector.shape_cast %slice3A_401 : vector<1x8x2048xf32> to vector<8x2048xf32>
    %lt3A_403 = arith.cmpf olt, %squeeze3A_402, %select_n3A_397 : vector<8x2048xf32>
    %select_n3A_404 = arith.select %lt3A_403, %squeeze3A_402, %select_n3A_397 : vector<8x2048xi1>, vector<8x2048xf32>
    %jit3A_405 = arith.constant 56 : i32
    %broadcast_in_dim3A_406 = vector.broadcast %jit3A_405 : i32 to vector<8x2048xi32>
    %select_n3A_407 = arith.select %lt3A_403, %broadcast_in_dim3A_406, %select_n3A_400 : vector<8x2048xi1>, vector<8x2048xi32>
    %slice3A_408 = vector.extract_strided_slice %reshape3A {offsets = [57, 0, 0], sizes = [1, 8, 2048], strides = [1, 1, 1]} : vector<128x8x2048xf32> to vector<1x8x2048xf32>
    %squeeze3A_409 = vector.shape_cast %slice3A_408 : vector<1x8x2048xf32> to vector<8x2048xf32>
    %lt3A_410 = arith.cmpf olt, %squeeze3A_409, %select_n3A_404 : vector<8x2048xf32>
    %select_n3A_411 = arith.select %lt3A_410, %squeeze3A_409, %select_n3A_404 : vector<8x2048xi1>, vector<8x2048xf32>
    %jit3A_412 = arith.constant 57 : i32
    %broadcast_in_dim3A_413 = vector.broadcast %jit3A_412 : i32 to vector<8x2048xi32>
    %select_n3A_414 = arith.select %lt3A_410, %broadcast_in_dim3A_413, %select_n3A_407 : vector<8x2048xi1>, vector<8x2048xi32>
    %slice3A_415 = vector.extract_strided_slice %reshape3A {offsets = [58, 0, 0], sizes = [1, 8, 2048], strides = [1, 1, 1]} : vector<128x8x2048xf32> to vector<1x8x2048xf32>
    %squeeze3A_416 = vector.shape_cast %slice3A_415 : vector<1x8x2048xf32> to vector<8x2048xf32>
    %lt3A_417 = arith.cmpf olt, %squeeze3A_416, %select_n3A_411 : vector<8x2048xf32>
    %select_n3A_418 = arith.select %lt3A_417, %squeeze3A_416, %select_n3A_411 : vector<8x2048xi1>, vector<8x2048xf32>
    %jit3A_419 = arith.constant 58 : i32
    %broadcast_in_dim3A_420 = vector.broadcast %jit3A_419 : i32 to vector<8x2048xi32>
    %select_n3A_421 = arith.select %lt3A_417, %broadcast_in_dim3A_420, %select_n3A_414 : vector<8x2048xi1>, vector<8x2048xi32>
    %slice3A_422 = vector.extract_strided_slice %reshape3A {offsets = [59, 0, 0], sizes = [1, 8, 2048], strides = [1, 1, 1]} : vector<128x8x2048xf32> to vector<1x8x2048xf32>
    %squeeze3A_423 = vector.shape_cast %slice3A_422 : vector<1x8x2048xf32> to vector<8x2048xf32>
    %lt3A_424 = arith.cmpf olt, %squeeze3A_423, %select_n3A_418 : vector<8x2048xf32>
    %select_n3A_425 = arith.select %lt3A_424, %squeeze3A_423, %select_n3A_418 : vector<8x2048xi1>, vector<8x2048xf32>
    %jit3A_426 = arith.constant 59 : i32
    %broadcast_in_dim3A_427 = vector.broadcast %jit3A_426 : i32 to vector<8x2048xi32>
    %select_n3A_428 = arith.select %lt3A_424, %broadcast_in_dim3A_427, %select_n3A_421 : vector<8x2048xi1>, vector<8x2048xi32>
    %slice3A_429 = vector.extract_strided_slice %reshape3A {offsets = [60, 0, 0], sizes = [1, 8, 2048], strides = [1, 1, 1]} : vector<128x8x2048xf32> to vector<1x8x2048xf32>
    %squeeze3A_430 = vector.shape_cast %slice3A_429 : vector<1x8x2048xf32> to vector<8x2048xf32>
    %lt3A_431 = arith.cmpf olt, %squeeze3A_430, %select_n3A_425 : vector<8x2048xf32>
    %select_n3A_432 = arith.select %lt3A_431, %squeeze3A_430, %select_n3A_425 : vector<8x2048xi1>, vector<8x2048xf32>
    %jit3A_433 = arith.constant 60 : i32
    %broadcast_in_dim3A_434 = vector.broadcast %jit3A_433 : i32 to vector<8x2048xi32>
    %select_n3A_435 = arith.select %lt3A_431, %broadcast_in_dim3A_434, %select_n3A_428 : vector<8x2048xi1>, vector<8x2048xi32>
    %slice3A_436 = vector.extract_strided_slice %reshape3A {offsets = [61, 0, 0], sizes = [1, 8, 2048], strides = [1, 1, 1]} : vector<128x8x2048xf32> to vector<1x8x2048xf32>
    %squeeze3A_437 = vector.shape_cast %slice3A_436 : vector<1x8x2048xf32> to vector<8x2048xf32>
    %lt3A_438 = arith.cmpf olt, %squeeze3A_437, %select_n3A_432 : vector<8x2048xf32>
    %select_n3A_439 = arith.select %lt3A_438, %squeeze3A_437, %select_n3A_432 : vector<8x2048xi1>, vector<8x2048xf32>
    %jit3A_440 = arith.constant 61 : i32
    %broadcast_in_dim3A_441 = vector.broadcast %jit3A_440 : i32 to vector<8x2048xi32>
    %select_n3A_442 = arith.select %lt3A_438, %broadcast_in_dim3A_441, %select_n3A_435 : vector<8x2048xi1>, vector<8x2048xi32>
    %slice3A_443 = vector.extract_strided_slice %reshape3A {offsets = [62, 0, 0], sizes = [1, 8, 2048], strides = [1, 1, 1]} : vector<128x8x2048xf32> to vector<1x8x2048xf32>
    %squeeze3A_444 = vector.shape_cast %slice3A_443 : vector<1x8x2048xf32> to vector<8x2048xf32>
    %lt3A_445 = arith.cmpf olt, %squeeze3A_444, %select_n3A_439 : vector<8x2048xf32>
    %select_n3A_446 = arith.select %lt3A_445, %squeeze3A_444, %select_n3A_439 : vector<8x2048xi1>, vector<8x2048xf32>
    %jit3A_447 = arith.constant 62 : i32
    %broadcast_in_dim3A_448 = vector.broadcast %jit3A_447 : i32 to vector<8x2048xi32>
    %select_n3A_449 = arith.select %lt3A_445, %broadcast_in_dim3A_448, %select_n3A_442 : vector<8x2048xi1>, vector<8x2048xi32>
    %slice3A_450 = vector.extract_strided_slice %reshape3A {offsets = [63, 0, 0], sizes = [1, 8, 2048], strides = [1, 1, 1]} : vector<128x8x2048xf32> to vector<1x8x2048xf32>
    %squeeze3A_451 = vector.shape_cast %slice3A_450 : vector<1x8x2048xf32> to vector<8x2048xf32>
    %lt3A_452 = arith.cmpf olt, %squeeze3A_451, %select_n3A_446 : vector<8x2048xf32>
    %select_n3A_453 = arith.select %lt3A_452, %squeeze3A_451, %select_n3A_446 : vector<8x2048xi1>, vector<8x2048xf32>
    %jit3A_454 = arith.constant 63 : i32
    %broadcast_in_dim3A_455 = vector.broadcast %jit3A_454 : i32 to vector<8x2048xi32>
    %select_n3A_456 = arith.select %lt3A_452, %broadcast_in_dim3A_455, %select_n3A_449 : vector<8x2048xi1>, vector<8x2048xi32>
    %slice3A_457 = vector.extract_strided_slice %reshape3A {offsets = [64, 0, 0], sizes = [1, 8, 2048], strides = [1, 1, 1]} : vector<128x8x2048xf32> to vector<1x8x2048xf32>
    %squeeze3A_458 = vector.shape_cast %slice3A_457 : vector<1x8x2048xf32> to vector<8x2048xf32>
    %lt3A_459 = arith.cmpf olt, %squeeze3A_458, %select_n3A_453 : vector<8x2048xf32>
    %select_n3A_460 = arith.select %lt3A_459, %squeeze3A_458, %select_n3A_453 : vector<8x2048xi1>, vector<8x2048xf32>
    %jit3A_461 = arith.constant 64 : i32
    %broadcast_in_dim3A_462 = vector.broadcast %jit3A_461 : i32 to vector<8x2048xi32>
    %select_n3A_463 = arith.select %lt3A_459, %broadcast_in_dim3A_462, %select_n3A_456 : vector<8x2048xi1>, vector<8x2048xi32>
    %slice3A_464 = vector.extract_strided_slice %reshape3A {offsets = [65, 0, 0], sizes = [1, 8, 2048], strides = [1, 1, 1]} : vector<128x8x2048xf32> to vector<1x8x2048xf32>
    %squeeze3A_465 = vector.shape_cast %slice3A_464 : vector<1x8x2048xf32> to vector<8x2048xf32>
    %lt3A_466 = arith.cmpf olt, %squeeze3A_465, %select_n3A_460 : vector<8x2048xf32>
    %select_n3A_467 = arith.select %lt3A_466, %squeeze3A_465, %select_n3A_460 : vector<8x2048xi1>, vector<8x2048xf32>
    %jit3A_468 = arith.constant 65 : i32
    %broadcast_in_dim3A_469 = vector.broadcast %jit3A_468 : i32 to vector<8x2048xi32>
    %select_n3A_470 = arith.select %lt3A_466, %broadcast_in_dim3A_469, %select_n3A_463 : vector<8x2048xi1>, vector<8x2048xi32>
    %slice3A_471 = vector.extract_strided_slice %reshape3A {offsets = [66, 0, 0], sizes = [1, 8, 2048], strides = [1, 1, 1]} : vector<128x8x2048xf32> to vector<1x8x2048xf32>
    %squeeze3A_472 = vector.shape_cast %slice3A_471 : vector<1x8x2048xf32> to vector<8x2048xf32>
    %lt3A_473 = arith.cmpf olt, %squeeze3A_472, %select_n3A_467 : vector<8x2048xf32>
    %select_n3A_474 = arith.select %lt3A_473, %squeeze3A_472, %select_n3A_467 : vector<8x2048xi1>, vector<8x2048xf32>
    %jit3A_475 = arith.constant 66 : i32
    %broadcast_in_dim3A_476 = vector.broadcast %jit3A_475 : i32 to vector<8x2048xi32>
    %select_n3A_477 = arith.select %lt3A_473, %broadcast_in_dim3A_476, %select_n3A_470 : vector<8x2048xi1>, vector<8x2048xi32>
    %slice3A_478 = vector.extract_strided_slice %reshape3A {offsets = [67, 0, 0], sizes = [1, 8, 2048], strides = [1, 1, 1]} : vector<128x8x2048xf32> to vector<1x8x2048xf32>
    %squeeze3A_479 = vector.shape_cast %slice3A_478 : vector<1x8x2048xf32> to vector<8x2048xf32>
    %lt3A_480 = arith.cmpf olt, %squeeze3A_479, %select_n3A_474 : vector<8x2048xf32>
    %select_n3A_481 = arith.select %lt3A_480, %squeeze3A_479, %select_n3A_474 : vector<8x2048xi1>, vector<8x2048xf32>
    %jit3A_482 = arith.constant 67 : i32
    %broadcast_in_dim3A_483 = vector.broadcast %jit3A_482 : i32 to vector<8x2048xi32>
    %select_n3A_484 = arith.select %lt3A_480, %broadcast_in_dim3A_483, %select_n3A_477 : vector<8x2048xi1>, vector<8x2048xi32>
    %slice3A_485 = vector.extract_strided_slice %reshape3A {offsets = [68, 0, 0], sizes = [1, 8, 2048], strides = [1, 1, 1]} : vector<128x8x2048xf32> to vector<1x8x2048xf32>
    %squeeze3A_486 = vector.shape_cast %slice3A_485 : vector<1x8x2048xf32> to vector<8x2048xf32>
    %lt3A_487 = arith.cmpf olt, %squeeze3A_486, %select_n3A_481 : vector<8x2048xf32>
    %select_n3A_488 = arith.select %lt3A_487, %squeeze3A_486, %select_n3A_481 : vector<8x2048xi1>, vector<8x2048xf32>
    %jit3A_489 = arith.constant 68 : i32
    %broadcast_in_dim3A_490 = vector.broadcast %jit3A_489 : i32 to vector<8x2048xi32>
    %select_n3A_491 = arith.select %lt3A_487, %broadcast_in_dim3A_490, %select_n3A_484 : vector<8x2048xi1>, vector<8x2048xi32>
    %slice3A_492 = vector.extract_strided_slice %reshape3A {offsets = [69, 0, 0], sizes = [1, 8, 2048], strides = [1, 1, 1]} : vector<128x8x2048xf32> to vector<1x8x2048xf32>
    %squeeze3A_493 = vector.shape_cast %slice3A_492 : vector<1x8x2048xf32> to vector<8x2048xf32>
    %lt3A_494 = arith.cmpf olt, %squeeze3A_493, %select_n3A_488 : vector<8x2048xf32>
    %select_n3A_495 = arith.select %lt3A_494, %squeeze3A_493, %select_n3A_488 : vector<8x2048xi1>, vector<8x2048xf32>
    %jit3A_496 = arith.constant 69 : i32
    %broadcast_in_dim3A_497 = vector.broadcast %jit3A_496 : i32 to vector<8x2048xi32>
    %select_n3A_498 = arith.select %lt3A_494, %broadcast_in_dim3A_497, %select_n3A_491 : vector<8x2048xi1>, vector<8x2048xi32>
    %slice3A_499 = vector.extract_strided_slice %reshape3A {offsets = [70, 0, 0], sizes = [1, 8, 2048], strides = [1, 1, 1]} : vector<128x8x2048xf32> to vector<1x8x2048xf32>
    %squeeze3A_500 = vector.shape_cast %slice3A_499 : vector<1x8x2048xf32> to vector<8x2048xf32>
    %lt3A_501 = arith.cmpf olt, %squeeze3A_500, %select_n3A_495 : vector<8x2048xf32>
    %select_n3A_502 = arith.select %lt3A_501, %squeeze3A_500, %select_n3A_495 : vector<8x2048xi1>, vector<8x2048xf32>
    %jit3A_503 = arith.constant 70 : i32
    %broadcast_in_dim3A_504 = vector.broadcast %jit3A_503 : i32 to vector<8x2048xi32>
    %select_n3A_505 = arith.select %lt3A_501, %broadcast_in_dim3A_504, %select_n3A_498 : vector<8x2048xi1>, vector<8x2048xi32>
    %slice3A_506 = vector.extract_strided_slice %reshape3A {offsets = [71, 0, 0], sizes = [1, 8, 2048], strides = [1, 1, 1]} : vector<128x8x2048xf32> to vector<1x8x2048xf32>
    %squeeze3A_507 = vector.shape_cast %slice3A_506 : vector<1x8x2048xf32> to vector<8x2048xf32>
    %lt3A_508 = arith.cmpf olt, %squeeze3A_507, %select_n3A_502 : vector<8x2048xf32>
    %select_n3A_509 = arith.select %lt3A_508, %squeeze3A_507, %select_n3A_502 : vector<8x2048xi1>, vector<8x2048xf32>
    %jit3A_510 = arith.constant 71 : i32
    %broadcast_in_dim3A_511 = vector.broadcast %jit3A_510 : i32 to vector<8x2048xi32>
    %select_n3A_512 = arith.select %lt3A_508, %broadcast_in_dim3A_511, %select_n3A_505 : vector<8x2048xi1>, vector<8x2048xi32>
    %slice3A_513 = vector.extract_strided_slice %reshape3A {offsets = [72, 0, 0], sizes = [1, 8, 2048], strides = [1, 1, 1]} : vector<128x8x2048xf32> to vector<1x8x2048xf32>
    %squeeze3A_514 = vector.shape_cast %slice3A_513 : vector<1x8x2048xf32> to vector<8x2048xf32>
    %lt3A_515 = arith.cmpf olt, %squeeze3A_514, %select_n3A_509 : vector<8x2048xf32>
    %select_n3A_516 = arith.select %lt3A_515, %squeeze3A_514, %select_n3A_509 : vector<8x2048xi1>, vector<8x2048xf32>
    %jit3A_517 = arith.constant 72 : i32
    %broadcast_in_dim3A_518 = vector.broadcast %jit3A_517 : i32 to vector<8x2048xi32>
    %select_n3A_519 = arith.select %lt3A_515, %broadcast_in_dim3A_518, %select_n3A_512 : vector<8x2048xi1>, vector<8x2048xi32>
    %slice3A_520 = vector.extract_strided_slice %reshape3A {offsets = [73, 0, 0], sizes = [1, 8, 2048], strides = [1, 1, 1]} : vector<128x8x2048xf32> to vector<1x8x2048xf32>
    %squeeze3A_521 = vector.shape_cast %slice3A_520 : vector<1x8x2048xf32> to vector<8x2048xf32>
    %lt3A_522 = arith.cmpf olt, %squeeze3A_521, %select_n3A_516 : vector<8x2048xf32>
    %select_n3A_523 = arith.select %lt3A_522, %squeeze3A_521, %select_n3A_516 : vector<8x2048xi1>, vector<8x2048xf32>
    %jit3A_524 = arith.constant 73 : i32
    %broadcast_in_dim3A_525 = vector.broadcast %jit3A_524 : i32 to vector<8x2048xi32>
    %select_n3A_526 = arith.select %lt3A_522, %broadcast_in_dim3A_525, %select_n3A_519 : vector<8x2048xi1>, vector<8x2048xi32>
    %slice3A_527 = vector.extract_strided_slice %reshape3A {offsets = [74, 0, 0], sizes = [1, 8, 2048], strides = [1, 1, 1]} : vector<128x8x2048xf32> to vector<1x8x2048xf32>
    %squeeze3A_528 = vector.shape_cast %slice3A_527 : vector<1x8x2048xf32> to vector<8x2048xf32>
    %lt3A_529 = arith.cmpf olt, %squeeze3A_528, %select_n3A_523 : vector<8x2048xf32>
    %select_n3A_530 = arith.select %lt3A_529, %squeeze3A_528, %select_n3A_523 : vector<8x2048xi1>, vector<8x2048xf32>
    %jit3A_531 = arith.constant 74 : i32
    %broadcast_in_dim3A_532 = vector.broadcast %jit3A_531 : i32 to vector<8x2048xi32>
    %select_n3A_533 = arith.select %lt3A_529, %broadcast_in_dim3A_532, %select_n3A_526 : vector<8x2048xi1>, vector<8x2048xi32>
    %slice3A_534 = vector.extract_strided_slice %reshape3A {offsets = [75, 0, 0], sizes = [1, 8, 2048], strides = [1, 1, 1]} : vector<128x8x2048xf32> to vector<1x8x2048xf32>
    %squeeze3A_535 = vector.shape_cast %slice3A_534 : vector<1x8x2048xf32> to vector<8x2048xf32>
    %lt3A_536 = arith.cmpf olt, %squeeze3A_535, %select_n3A_530 : vector<8x2048xf32>
    %select_n3A_537 = arith.select %lt3A_536, %squeeze3A_535, %select_n3A_530 : vector<8x2048xi1>, vector<8x2048xf32>
    %jit3A_538 = arith.constant 75 : i32
    %broadcast_in_dim3A_539 = vector.broadcast %jit3A_538 : i32 to vector<8x2048xi32>
    %select_n3A_540 = arith.select %lt3A_536, %broadcast_in_dim3A_539, %select_n3A_533 : vector<8x2048xi1>, vector<8x2048xi32>
    %slice3A_541 = vector.extract_strided_slice %reshape3A {offsets = [76, 0, 0], sizes = [1, 8, 2048], strides = [1, 1, 1]} : vector<128x8x2048xf32> to vector<1x8x2048xf32>
    %squeeze3A_542 = vector.shape_cast %slice3A_541 : vector<1x8x2048xf32> to vector<8x2048xf32>
    %lt3A_543 = arith.cmpf olt, %squeeze3A_542, %select_n3A_537 : vector<8x2048xf32>
    %select_n3A_544 = arith.select %lt3A_543, %squeeze3A_542, %select_n3A_537 : vector<8x2048xi1>, vector<8x2048xf32>
    %jit3A_545 = arith.constant 76 : i32
    %broadcast_in_dim3A_546 = vector.broadcast %jit3A_545 : i32 to vector<8x2048xi32>
    %select_n3A_547 = arith.select %lt3A_543, %broadcast_in_dim3A_546, %select_n3A_540 : vector<8x2048xi1>, vector<8x2048xi32>
    %slice3A_548 = vector.extract_strided_slice %reshape3A {offsets = [77, 0, 0], sizes = [1, 8, 2048], strides = [1, 1, 1]} : vector<128x8x2048xf32> to vector<1x8x2048xf32>
    %squeeze3A_549 = vector.shape_cast %slice3A_548 : vector<1x8x2048xf32> to vector<8x2048xf32>
    %lt3A_550 = arith.cmpf olt, %squeeze3A_549, %select_n3A_544 : vector<8x2048xf32>
    %select_n3A_551 = arith.select %lt3A_550, %squeeze3A_549, %select_n3A_544 : vector<8x2048xi1>, vector<8x2048xf32>
    %jit3A_552 = arith.constant 77 : i32
    %broadcast_in_dim3A_553 = vector.broadcast %jit3A_552 : i32 to vector<8x2048xi32>
    %select_n3A_554 = arith.select %lt3A_550, %broadcast_in_dim3A_553, %select_n3A_547 : vector<8x2048xi1>, vector<8x2048xi32>
    %slice3A_555 = vector.extract_strided_slice %reshape3A {offsets = [78, 0, 0], sizes = [1, 8, 2048], strides = [1, 1, 1]} : vector<128x8x2048xf32> to vector<1x8x2048xf32>
    %squeeze3A_556 = vector.shape_cast %slice3A_555 : vector<1x8x2048xf32> to vector<8x2048xf32>
    %lt3A_557 = arith.cmpf olt, %squeeze3A_556, %select_n3A_551 : vector<8x2048xf32>
    %select_n3A_558 = arith.select %lt3A_557, %squeeze3A_556, %select_n3A_551 : vector<8x2048xi1>, vector<8x2048xf32>
    %jit3A_559 = arith.constant 78 : i32
    %broadcast_in_dim3A_560 = vector.broadcast %jit3A_559 : i32 to vector<8x2048xi32>
    %select_n3A_561 = arith.select %lt3A_557, %broadcast_in_dim3A_560, %select_n3A_554 : vector<8x2048xi1>, vector<8x2048xi32>
    %slice3A_562 = vector.extract_strided_slice %reshape3A {offsets = [79, 0, 0], sizes = [1, 8, 2048], strides = [1, 1, 1]} : vector<128x8x2048xf32> to vector<1x8x2048xf32>
    %squeeze3A_563 = vector.shape_cast %slice3A_562 : vector<1x8x2048xf32> to vector<8x2048xf32>
    %lt3A_564 = arith.cmpf olt, %squeeze3A_563, %select_n3A_558 : vector<8x2048xf32>
    %select_n3A_565 = arith.select %lt3A_564, %squeeze3A_563, %select_n3A_558 : vector<8x2048xi1>, vector<8x2048xf32>
    %jit3A_566 = arith.constant 79 : i32
    %broadcast_in_dim3A_567 = vector.broadcast %jit3A_566 : i32 to vector<8x2048xi32>
    %select_n3A_568 = arith.select %lt3A_564, %broadcast_in_dim3A_567, %select_n3A_561 : vector<8x2048xi1>, vector<8x2048xi32>
    %slice3A_569 = vector.extract_strided_slice %reshape3A {offsets = [80, 0, 0], sizes = [1, 8, 2048], strides = [1, 1, 1]} : vector<128x8x2048xf32> to vector<1x8x2048xf32>
    %squeeze3A_570 = vector.shape_cast %slice3A_569 : vector<1x8x2048xf32> to vector<8x2048xf32>
    %lt3A_571 = arith.cmpf olt, %squeeze3A_570, %select_n3A_565 : vector<8x2048xf32>
    %select_n3A_572 = arith.select %lt3A_571, %squeeze3A_570, %select_n3A_565 : vector<8x2048xi1>, vector<8x2048xf32>
    %jit3A_573 = arith.constant 80 : i32
    %broadcast_in_dim3A_574 = vector.broadcast %jit3A_573 : i32 to vector<8x2048xi32>
    %select_n3A_575 = arith.select %lt3A_571, %broadcast_in_dim3A_574, %select_n3A_568 : vector<8x2048xi1>, vector<8x2048xi32>
    %slice3A_576 = vector.extract_strided_slice %reshape3A {offsets = [81, 0, 0], sizes = [1, 8, 2048], strides = [1, 1, 1]} : vector<128x8x2048xf32> to vector<1x8x2048xf32>
    %squeeze3A_577 = vector.shape_cast %slice3A_576 : vector<1x8x2048xf32> to vector<8x2048xf32>
    %lt3A_578 = arith.cmpf olt, %squeeze3A_577, %select_n3A_572 : vector<8x2048xf32>
    %select_n3A_579 = arith.select %lt3A_578, %squeeze3A_577, %select_n3A_572 : vector<8x2048xi1>, vector<8x2048xf32>
    %jit3A_580 = arith.constant 81 : i32
    %broadcast_in_dim3A_581 = vector.broadcast %jit3A_580 : i32 to vector<8x2048xi32>
    %select_n3A_582 = arith.select %lt3A_578, %broadcast_in_dim3A_581, %select_n3A_575 : vector<8x2048xi1>, vector<8x2048xi32>
    %slice3A_583 = vector.extract_strided_slice %reshape3A {offsets = [82, 0, 0], sizes = [1, 8, 2048], strides = [1, 1, 1]} : vector<128x8x2048xf32> to vector<1x8x2048xf32>
    %squeeze3A_584 = vector.shape_cast %slice3A_583 : vector<1x8x2048xf32> to vector<8x2048xf32>
    %lt3A_585 = arith.cmpf olt, %squeeze3A_584, %select_n3A_579 : vector<8x2048xf32>
    %select_n3A_586 = arith.select %lt3A_585, %squeeze3A_584, %select_n3A_579 : vector<8x2048xi1>, vector<8x2048xf32>
    %jit3A_587 = arith.constant 82 : i32
    %broadcast_in_dim3A_588 = vector.broadcast %jit3A_587 : i32 to vector<8x2048xi32>
    %select_n3A_589 = arith.select %lt3A_585, %broadcast_in_dim3A_588, %select_n3A_582 : vector<8x2048xi1>, vector<8x2048xi32>
    %slice3A_590 = vector.extract_strided_slice %reshape3A {offsets = [83, 0, 0], sizes = [1, 8, 2048], strides = [1, 1, 1]} : vector<128x8x2048xf32> to vector<1x8x2048xf32>
    %squeeze3A_591 = vector.shape_cast %slice3A_590 : vector<1x8x2048xf32> to vector<8x2048xf32>
    %lt3A_592 = arith.cmpf olt, %squeeze3A_591, %select_n3A_586 : vector<8x2048xf32>
    %select_n3A_593 = arith.select %lt3A_592, %squeeze3A_591, %select_n3A_586 : vector<8x2048xi1>, vector<8x2048xf32>
    %jit3A_594 = arith.constant 83 : i32
    %broadcast_in_dim3A_595 = vector.broadcast %jit3A_594 : i32 to vector<8x2048xi32>
    %select_n3A_596 = arith.select %lt3A_592, %broadcast_in_dim3A_595, %select_n3A_589 : vector<8x2048xi1>, vector<8x2048xi32>
    %slice3A_597 = vector.extract_strided_slice %reshape3A {offsets = [84, 0, 0], sizes = [1, 8, 2048], strides = [1, 1, 1]} : vector<128x8x2048xf32> to vector<1x8x2048xf32>
    %squeeze3A_598 = vector.shape_cast %slice3A_597 : vector<1x8x2048xf32> to vector<8x2048xf32>
    %lt3A_599 = arith.cmpf olt, %squeeze3A_598, %select_n3A_593 : vector<8x2048xf32>
    %select_n3A_600 = arith.select %lt3A_599, %squeeze3A_598, %select_n3A_593 : vector<8x2048xi1>, vector<8x2048xf32>
    %jit3A_601 = arith.constant 84 : i32
    %broadcast_in_dim3A_602 = vector.broadcast %jit3A_601 : i32 to vector<8x2048xi32>
    %select_n3A_603 = arith.select %lt3A_599, %broadcast_in_dim3A_602, %select_n3A_596 : vector<8x2048xi1>, vector<8x2048xi32>
    %slice3A_604 = vector.extract_strided_slice %reshape3A {offsets = [85, 0, 0], sizes = [1, 8, 2048], strides = [1, 1, 1]} : vector<128x8x2048xf32> to vector<1x8x2048xf32>
    %squeeze3A_605 = vector.shape_cast %slice3A_604 : vector<1x8x2048xf32> to vector<8x2048xf32>
    %lt3A_606 = arith.cmpf olt, %squeeze3A_605, %select_n3A_600 : vector<8x2048xf32>
    %select_n3A_607 = arith.select %lt3A_606, %squeeze3A_605, %select_n3A_600 : vector<8x2048xi1>, vector<8x2048xf32>
    %jit3A_608 = arith.constant 85 : i32
    %broadcast_in_dim3A_609 = vector.broadcast %jit3A_608 : i32 to vector<8x2048xi32>
    %select_n3A_610 = arith.select %lt3A_606, %broadcast_in_dim3A_609, %select_n3A_603 : vector<8x2048xi1>, vector<8x2048xi32>
    %slice3A_611 = vector.extract_strided_slice %reshape3A {offsets = [86, 0, 0], sizes = [1, 8, 2048], strides = [1, 1, 1]} : vector<128x8x2048xf32> to vector<1x8x2048xf32>
    %squeeze3A_612 = vector.shape_cast %slice3A_611 : vector<1x8x2048xf32> to vector<8x2048xf32>
    %lt3A_613 = arith.cmpf olt, %squeeze3A_612, %select_n3A_607 : vector<8x2048xf32>
    %select_n3A_614 = arith.select %lt3A_613, %squeeze3A_612, %select_n3A_607 : vector<8x2048xi1>, vector<8x2048xf32>
    %jit3A_615 = arith.constant 86 : i32
    %broadcast_in_dim3A_616 = vector.broadcast %jit3A_615 : i32 to vector<8x2048xi32>
    %select_n3A_617 = arith.select %lt3A_613, %broadcast_in_dim3A_616, %select_n3A_610 : vector<8x2048xi1>, vector<8x2048xi32>
    %slice3A_618 = vector.extract_strided_slice %reshape3A {offsets = [87, 0, 0], sizes = [1, 8, 2048], strides = [1, 1, 1]} : vector<128x8x2048xf32> to vector<1x8x2048xf32>
    %squeeze3A_619 = vector.shape_cast %slice3A_618 : vector<1x8x2048xf32> to vector<8x2048xf32>
    %lt3A_620 = arith.cmpf olt, %squeeze3A_619, %select_n3A_614 : vector<8x2048xf32>
    %select_n3A_621 = arith.select %lt3A_620, %squeeze3A_619, %select_n3A_614 : vector<8x2048xi1>, vector<8x2048xf32>
    %jit3A_622 = arith.constant 87 : i32
    %broadcast_in_dim3A_623 = vector.broadcast %jit3A_622 : i32 to vector<8x2048xi32>
    %select_n3A_624 = arith.select %lt3A_620, %broadcast_in_dim3A_623, %select_n3A_617 : vector<8x2048xi1>, vector<8x2048xi32>
    %slice3A_625 = vector.extract_strided_slice %reshape3A {offsets = [88, 0, 0], sizes = [1, 8, 2048], strides = [1, 1, 1]} : vector<128x8x2048xf32> to vector<1x8x2048xf32>
    %squeeze3A_626 = vector.shape_cast %slice3A_625 : vector<1x8x2048xf32> to vector<8x2048xf32>
    %lt3A_627 = arith.cmpf olt, %squeeze3A_626, %select_n3A_621 : vector<8x2048xf32>
    %select_n3A_628 = arith.select %lt3A_627, %squeeze3A_626, %select_n3A_621 : vector<8x2048xi1>, vector<8x2048xf32>
    %jit3A_629 = arith.constant 88 : i32
    %broadcast_in_dim3A_630 = vector.broadcast %jit3A_629 : i32 to vector<8x2048xi32>
    %select_n3A_631 = arith.select %lt3A_627, %broadcast_in_dim3A_630, %select_n3A_624 : vector<8x2048xi1>, vector<8x2048xi32>
    %slice3A_632 = vector.extract_strided_slice %reshape3A {offsets = [89, 0, 0], sizes = [1, 8, 2048], strides = [1, 1, 1]} : vector<128x8x2048xf32> to vector<1x8x2048xf32>
    %squeeze3A_633 = vector.shape_cast %slice3A_632 : vector<1x8x2048xf32> to vector<8x2048xf32>
    %lt3A_634 = arith.cmpf olt, %squeeze3A_633, %select_n3A_628 : vector<8x2048xf32>
    %select_n3A_635 = arith.select %lt3A_634, %squeeze3A_633, %select_n3A_628 : vector<8x2048xi1>, vector<8x2048xf32>
    %jit3A_636 = arith.constant 89 : i32
    %broadcast_in_dim3A_637 = vector.broadcast %jit3A_636 : i32 to vector<8x2048xi32>
    %select_n3A_638 = arith.select %lt3A_634, %broadcast_in_dim3A_637, %select_n3A_631 : vector<8x2048xi1>, vector<8x2048xi32>
    %slice3A_639 = vector.extract_strided_slice %reshape3A {offsets = [90, 0, 0], sizes = [1, 8, 2048], strides = [1, 1, 1]} : vector<128x8x2048xf32> to vector<1x8x2048xf32>
    %squeeze3A_640 = vector.shape_cast %slice3A_639 : vector<1x8x2048xf32> to vector<8x2048xf32>
    %lt3A_641 = arith.cmpf olt, %squeeze3A_640, %select_n3A_635 : vector<8x2048xf32>
    %select_n3A_642 = arith.select %lt3A_641, %squeeze3A_640, %select_n3A_635 : vector<8x2048xi1>, vector<8x2048xf32>
    %jit3A_643 = arith.constant 90 : i32
    %broadcast_in_dim3A_644 = vector.broadcast %jit3A_643 : i32 to vector<8x2048xi32>
    %select_n3A_645 = arith.select %lt3A_641, %broadcast_in_dim3A_644, %select_n3A_638 : vector<8x2048xi1>, vector<8x2048xi32>
    %slice3A_646 = vector.extract_strided_slice %reshape3A {offsets = [91, 0, 0], sizes = [1, 8, 2048], strides = [1, 1, 1]} : vector<128x8x2048xf32> to vector<1x8x2048xf32>
    %squeeze3A_647 = vector.shape_cast %slice3A_646 : vector<1x8x2048xf32> to vector<8x2048xf32>
    %lt3A_648 = arith.cmpf olt, %squeeze3A_647, %select_n3A_642 : vector<8x2048xf32>
    %select_n3A_649 = arith.select %lt3A_648, %squeeze3A_647, %select_n3A_642 : vector<8x2048xi1>, vector<8x2048xf32>
    %jit3A_650 = arith.constant 91 : i32
    %broadcast_in_dim3A_651 = vector.broadcast %jit3A_650 : i32 to vector<8x2048xi32>
    %select_n3A_652 = arith.select %lt3A_648, %broadcast_in_dim3A_651, %select_n3A_645 : vector<8x2048xi1>, vector<8x2048xi32>
    %slice3A_653 = vector.extract_strided_slice %reshape3A {offsets = [92, 0, 0], sizes = [1, 8, 2048], strides = [1, 1, 1]} : vector<128x8x2048xf32> to vector<1x8x2048xf32>
    %squeeze3A_654 = vector.shape_cast %slice3A_653 : vector<1x8x2048xf32> to vector<8x2048xf32>
    %lt3A_655 = arith.cmpf olt, %squeeze3A_654, %select_n3A_649 : vector<8x2048xf32>
    %select_n3A_656 = arith.select %lt3A_655, %squeeze3A_654, %select_n3A_649 : vector<8x2048xi1>, vector<8x2048xf32>
    %jit3A_657 = arith.constant 92 : i32
    %broadcast_in_dim3A_658 = vector.broadcast %jit3A_657 : i32 to vector<8x2048xi32>
    %select_n3A_659 = arith.select %lt3A_655, %broadcast_in_dim3A_658, %select_n3A_652 : vector<8x2048xi1>, vector<8x2048xi32>
    %slice3A_660 = vector.extract_strided_slice %reshape3A {offsets = [93, 0, 0], sizes = [1, 8, 2048], strides = [1, 1, 1]} : vector<128x8x2048xf32> to vector<1x8x2048xf32>
    %squeeze3A_661 = vector.shape_cast %slice3A_660 : vector<1x8x2048xf32> to vector<8x2048xf32>
    %lt3A_662 = arith.cmpf olt, %squeeze3A_661, %select_n3A_656 : vector<8x2048xf32>
    %select_n3A_663 = arith.select %lt3A_662, %squeeze3A_661, %select_n3A_656 : vector<8x2048xi1>, vector<8x2048xf32>
    %jit3A_664 = arith.constant 93 : i32
    %broadcast_in_dim3A_665 = vector.broadcast %jit3A_664 : i32 to vector<8x2048xi32>
    %select_n3A_666 = arith.select %lt3A_662, %broadcast_in_dim3A_665, %select_n3A_659 : vector<8x2048xi1>, vector<8x2048xi32>
    %slice3A_667 = vector.extract_strided_slice %reshape3A {offsets = [94, 0, 0], sizes = [1, 8, 2048], strides = [1, 1, 1]} : vector<128x8x2048xf32> to vector<1x8x2048xf32>
    %squeeze3A_668 = vector.shape_cast %slice3A_667 : vector<1x8x2048xf32> to vector<8x2048xf32>
    %lt3A_669 = arith.cmpf olt, %squeeze3A_668, %select_n3A_663 : vector<8x2048xf32>
    %select_n3A_670 = arith.select %lt3A_669, %squeeze3A_668, %select_n3A_663 : vector<8x2048xi1>, vector<8x2048xf32>
    %jit3A_671 = arith.constant 94 : i32
    %broadcast_in_dim3A_672 = vector.broadcast %jit3A_671 : i32 to vector<8x2048xi32>
    %select_n3A_673 = arith.select %lt3A_669, %broadcast_in_dim3A_672, %select_n3A_666 : vector<8x2048xi1>, vector<8x2048xi32>
    %slice3A_674 = vector.extract_strided_slice %reshape3A {offsets = [95, 0, 0], sizes = [1, 8, 2048], strides = [1, 1, 1]} : vector<128x8x2048xf32> to vector<1x8x2048xf32>
    %squeeze3A_675 = vector.shape_cast %slice3A_674 : vector<1x8x2048xf32> to vector<8x2048xf32>
    %lt3A_676 = arith.cmpf olt, %squeeze3A_675, %select_n3A_670 : vector<8x2048xf32>
    %select_n3A_677 = arith.select %lt3A_676, %squeeze3A_675, %select_n3A_670 : vector<8x2048xi1>, vector<8x2048xf32>
    %jit3A_678 = arith.constant 95 : i32
    %broadcast_in_dim3A_679 = vector.broadcast %jit3A_678 : i32 to vector<8x2048xi32>
    %select_n3A_680 = arith.select %lt3A_676, %broadcast_in_dim3A_679, %select_n3A_673 : vector<8x2048xi1>, vector<8x2048xi32>
    %slice3A_681 = vector.extract_strided_slice %reshape3A {offsets = [96, 0, 0], sizes = [1, 8, 2048], strides = [1, 1, 1]} : vector<128x8x2048xf32> to vector<1x8x2048xf32>
    %squeeze3A_682 = vector.shape_cast %slice3A_681 : vector<1x8x2048xf32> to vector<8x2048xf32>
    %lt3A_683 = arith.cmpf olt, %squeeze3A_682, %select_n3A_677 : vector<8x2048xf32>
    %select_n3A_684 = arith.select %lt3A_683, %squeeze3A_682, %select_n3A_677 : vector<8x2048xi1>, vector<8x2048xf32>
    %jit3A_685 = arith.constant 96 : i32
    %broadcast_in_dim3A_686 = vector.broadcast %jit3A_685 : i32 to vector<8x2048xi32>
    %select_n3A_687 = arith.select %lt3A_683, %broadcast_in_dim3A_686, %select_n3A_680 : vector<8x2048xi1>, vector<8x2048xi32>
    %slice3A_688 = vector.extract_strided_slice %reshape3A {offsets = [97, 0, 0], sizes = [1, 8, 2048], strides = [1, 1, 1]} : vector<128x8x2048xf32> to vector<1x8x2048xf32>
    %squeeze3A_689 = vector.shape_cast %slice3A_688 : vector<1x8x2048xf32> to vector<8x2048xf32>
    %lt3A_690 = arith.cmpf olt, %squeeze3A_689, %select_n3A_684 : vector<8x2048xf32>
    %select_n3A_691 = arith.select %lt3A_690, %squeeze3A_689, %select_n3A_684 : vector<8x2048xi1>, vector<8x2048xf32>
    %jit3A_692 = arith.constant 97 : i32
    %broadcast_in_dim3A_693 = vector.broadcast %jit3A_692 : i32 to vector<8x2048xi32>
    %select_n3A_694 = arith.select %lt3A_690, %broadcast_in_dim3A_693, %select_n3A_687 : vector<8x2048xi1>, vector<8x2048xi32>
    %slice3A_695 = vector.extract_strided_slice %reshape3A {offsets = [98, 0, 0], sizes = [1, 8, 2048], strides = [1, 1, 1]} : vector<128x8x2048xf32> to vector<1x8x2048xf32>
    %squeeze3A_696 = vector.shape_cast %slice3A_695 : vector<1x8x2048xf32> to vector<8x2048xf32>
    %lt3A_697 = arith.cmpf olt, %squeeze3A_696, %select_n3A_691 : vector<8x2048xf32>
    %select_n3A_698 = arith.select %lt3A_697, %squeeze3A_696, %select_n3A_691 : vector<8x2048xi1>, vector<8x2048xf32>
    %jit3A_699 = arith.constant 98 : i32
    %broadcast_in_dim3A_700 = vector.broadcast %jit3A_699 : i32 to vector<8x2048xi32>
    %select_n3A_701 = arith.select %lt3A_697, %broadcast_in_dim3A_700, %select_n3A_694 : vector<8x2048xi1>, vector<8x2048xi32>
    %slice3A_702 = vector.extract_strided_slice %reshape3A {offsets = [99, 0, 0], sizes = [1, 8, 2048], strides = [1, 1, 1]} : vector<128x8x2048xf32> to vector<1x8x2048xf32>
    %squeeze3A_703 = vector.shape_cast %slice3A_702 : vector<1x8x2048xf32> to vector<8x2048xf32>
    %lt3A_704 = arith.cmpf olt, %squeeze3A_703, %select_n3A_698 : vector<8x2048xf32>
    %select_n3A_705 = arith.select %lt3A_704, %squeeze3A_703, %select_n3A_698 : vector<8x2048xi1>, vector<8x2048xf32>
    %jit3A_706 = arith.constant 99 : i32
    %broadcast_in_dim3A_707 = vector.broadcast %jit3A_706 : i32 to vector<8x2048xi32>
    %select_n3A_708 = arith.select %lt3A_704, %broadcast_in_dim3A_707, %select_n3A_701 : vector<8x2048xi1>, vector<8x2048xi32>
    %slice3A_709 = vector.extract_strided_slice %reshape3A {offsets = [100, 0, 0], sizes = [1, 8, 2048], strides = [1, 1, 1]} : vector<128x8x2048xf32> to vector<1x8x2048xf32>
    %squeeze3A_710 = vector.shape_cast %slice3A_709 : vector<1x8x2048xf32> to vector<8x2048xf32>
    %lt3A_711 = arith.cmpf olt, %squeeze3A_710, %select_n3A_705 : vector<8x2048xf32>
    %select_n3A_712 = arith.select %lt3A_711, %squeeze3A_710, %select_n3A_705 : vector<8x2048xi1>, vector<8x2048xf32>
    %jit3A_713 = arith.constant 100 : i32
    %broadcast_in_dim3A_714 = vector.broadcast %jit3A_713 : i32 to vector<8x2048xi32>
    %select_n3A_715 = arith.select %lt3A_711, %broadcast_in_dim3A_714, %select_n3A_708 : vector<8x2048xi1>, vector<8x2048xi32>
    %slice3A_716 = vector.extract_strided_slice %reshape3A {offsets = [101, 0, 0], sizes = [1, 8, 2048], strides = [1, 1, 1]} : vector<128x8x2048xf32> to vector<1x8x2048xf32>
    %squeeze3A_717 = vector.shape_cast %slice3A_716 : vector<1x8x2048xf32> to vector<8x2048xf32>
    %lt3A_718 = arith.cmpf olt, %squeeze3A_717, %select_n3A_712 : vector<8x2048xf32>
    %select_n3A_719 = arith.select %lt3A_718, %squeeze3A_717, %select_n3A_712 : vector<8x2048xi1>, vector<8x2048xf32>
    %jit3A_720 = arith.constant 101 : i32
    %broadcast_in_dim3A_721 = vector.broadcast %jit3A_720 : i32 to vector<8x2048xi32>
    %select_n3A_722 = arith.select %lt3A_718, %broadcast_in_dim3A_721, %select_n3A_715 : vector<8x2048xi1>, vector<8x2048xi32>
    %slice3A_723 = vector.extract_strided_slice %reshape3A {offsets = [102, 0, 0], sizes = [1, 8, 2048], strides = [1, 1, 1]} : vector<128x8x2048xf32> to vector<1x8x2048xf32>
    %squeeze3A_724 = vector.shape_cast %slice3A_723 : vector<1x8x2048xf32> to vector<8x2048xf32>
    %lt3A_725 = arith.cmpf olt, %squeeze3A_724, %select_n3A_719 : vector<8x2048xf32>
    %select_n3A_726 = arith.select %lt3A_725, %squeeze3A_724, %select_n3A_719 : vector<8x2048xi1>, vector<8x2048xf32>
    %jit3A_727 = arith.constant 102 : i32
    %broadcast_in_dim3A_728 = vector.broadcast %jit3A_727 : i32 to vector<8x2048xi32>
    %select_n3A_729 = arith.select %lt3A_725, %broadcast_in_dim3A_728, %select_n3A_722 : vector<8x2048xi1>, vector<8x2048xi32>
    %slice3A_730 = vector.extract_strided_slice %reshape3A {offsets = [103, 0, 0], sizes = [1, 8, 2048], strides = [1, 1, 1]} : vector<128x8x2048xf32> to vector<1x8x2048xf32>
    %squeeze3A_731 = vector.shape_cast %slice3A_730 : vector<1x8x2048xf32> to vector<8x2048xf32>
    %lt3A_732 = arith.cmpf olt, %squeeze3A_731, %select_n3A_726 : vector<8x2048xf32>
    %select_n3A_733 = arith.select %lt3A_732, %squeeze3A_731, %select_n3A_726 : vector<8x2048xi1>, vector<8x2048xf32>
    %jit3A_734 = arith.constant 103 : i32
    %broadcast_in_dim3A_735 = vector.broadcast %jit3A_734 : i32 to vector<8x2048xi32>
    %select_n3A_736 = arith.select %lt3A_732, %broadcast_in_dim3A_735, %select_n3A_729 : vector<8x2048xi1>, vector<8x2048xi32>
    %slice3A_737 = vector.extract_strided_slice %reshape3A {offsets = [104, 0, 0], sizes = [1, 8, 2048], strides = [1, 1, 1]} : vector<128x8x2048xf32> to vector<1x8x2048xf32>
    %squeeze3A_738 = vector.shape_cast %slice3A_737 : vector<1x8x2048xf32> to vector<8x2048xf32>
    %lt3A_739 = arith.cmpf olt, %squeeze3A_738, %select_n3A_733 : vector<8x2048xf32>
    %select_n3A_740 = arith.select %lt3A_739, %squeeze3A_738, %select_n3A_733 : vector<8x2048xi1>, vector<8x2048xf32>
    %jit3A_741 = arith.constant 104 : i32
    %broadcast_in_dim3A_742 = vector.broadcast %jit3A_741 : i32 to vector<8x2048xi32>
    %select_n3A_743 = arith.select %lt3A_739, %broadcast_in_dim3A_742, %select_n3A_736 : vector<8x2048xi1>, vector<8x2048xi32>
    %slice3A_744 = vector.extract_strided_slice %reshape3A {offsets = [105, 0, 0], sizes = [1, 8, 2048], strides = [1, 1, 1]} : vector<128x8x2048xf32> to vector<1x8x2048xf32>
    %squeeze3A_745 = vector.shape_cast %slice3A_744 : vector<1x8x2048xf32> to vector<8x2048xf32>
    %lt3A_746 = arith.cmpf olt, %squeeze3A_745, %select_n3A_740 : vector<8x2048xf32>
    %select_n3A_747 = arith.select %lt3A_746, %squeeze3A_745, %select_n3A_740 : vector<8x2048xi1>, vector<8x2048xf32>
    %jit3A_748 = arith.constant 105 : i32
    %broadcast_in_dim3A_749 = vector.broadcast %jit3A_748 : i32 to vector<8x2048xi32>
    %select_n3A_750 = arith.select %lt3A_746, %broadcast_in_dim3A_749, %select_n3A_743 : vector<8x2048xi1>, vector<8x2048xi32>
    %slice3A_751 = vector.extract_strided_slice %reshape3A {offsets = [106, 0, 0], sizes = [1, 8, 2048], strides = [1, 1, 1]} : vector<128x8x2048xf32> to vector<1x8x2048xf32>
    %squeeze3A_752 = vector.shape_cast %slice3A_751 : vector<1x8x2048xf32> to vector<8x2048xf32>
    %lt3A_753 = arith.cmpf olt, %squeeze3A_752, %select_n3A_747 : vector<8x2048xf32>
    %select_n3A_754 = arith.select %lt3A_753, %squeeze3A_752, %select_n3A_747 : vector<8x2048xi1>, vector<8x2048xf32>
    %jit3A_755 = arith.constant 106 : i32
    %broadcast_in_dim3A_756 = vector.broadcast %jit3A_755 : i32 to vector<8x2048xi32>
    %select_n3A_757 = arith.select %lt3A_753, %broadcast_in_dim3A_756, %select_n3A_750 : vector<8x2048xi1>, vector<8x2048xi32>
    %slice3A_758 = vector.extract_strided_slice %reshape3A {offsets = [107, 0, 0], sizes = [1, 8, 2048], strides = [1, 1, 1]} : vector<128x8x2048xf32> to vector<1x8x2048xf32>
    %squeeze3A_759 = vector.shape_cast %slice3A_758 : vector<1x8x2048xf32> to vector<8x2048xf32>
    %lt3A_760 = arith.cmpf olt, %squeeze3A_759, %select_n3A_754 : vector<8x2048xf32>
    %select_n3A_761 = arith.select %lt3A_760, %squeeze3A_759, %select_n3A_754 : vector<8x2048xi1>, vector<8x2048xf32>
    %jit3A_762 = arith.constant 107 : i32
    %broadcast_in_dim3A_763 = vector.broadcast %jit3A_762 : i32 to vector<8x2048xi32>
    %select_n3A_764 = arith.select %lt3A_760, %broadcast_in_dim3A_763, %select_n3A_757 : vector<8x2048xi1>, vector<8x2048xi32>
    %slice3A_765 = vector.extract_strided_slice %reshape3A {offsets = [108, 0, 0], sizes = [1, 8, 2048], strides = [1, 1, 1]} : vector<128x8x2048xf32> to vector<1x8x2048xf32>
    %squeeze3A_766 = vector.shape_cast %slice3A_765 : vector<1x8x2048xf32> to vector<8x2048xf32>
    %lt3A_767 = arith.cmpf olt, %squeeze3A_766, %select_n3A_761 : vector<8x2048xf32>
    %select_n3A_768 = arith.select %lt3A_767, %squeeze3A_766, %select_n3A_761 : vector<8x2048xi1>, vector<8x2048xf32>
    %jit3A_769 = arith.constant 108 : i32
    %broadcast_in_dim3A_770 = vector.broadcast %jit3A_769 : i32 to vector<8x2048xi32>
    %select_n3A_771 = arith.select %lt3A_767, %broadcast_in_dim3A_770, %select_n3A_764 : vector<8x2048xi1>, vector<8x2048xi32>
    %slice3A_772 = vector.extract_strided_slice %reshape3A {offsets = [109, 0, 0], sizes = [1, 8, 2048], strides = [1, 1, 1]} : vector<128x8x2048xf32> to vector<1x8x2048xf32>
    %squeeze3A_773 = vector.shape_cast %slice3A_772 : vector<1x8x2048xf32> to vector<8x2048xf32>
    %lt3A_774 = arith.cmpf olt, %squeeze3A_773, %select_n3A_768 : vector<8x2048xf32>
    %select_n3A_775 = arith.select %lt3A_774, %squeeze3A_773, %select_n3A_768 : vector<8x2048xi1>, vector<8x2048xf32>
    %jit3A_776 = arith.constant 109 : i32
    %broadcast_in_dim3A_777 = vector.broadcast %jit3A_776 : i32 to vector<8x2048xi32>
    %select_n3A_778 = arith.select %lt3A_774, %broadcast_in_dim3A_777, %select_n3A_771 : vector<8x2048xi1>, vector<8x2048xi32>
    %slice3A_779 = vector.extract_strided_slice %reshape3A {offsets = [110, 0, 0], sizes = [1, 8, 2048], strides = [1, 1, 1]} : vector<128x8x2048xf32> to vector<1x8x2048xf32>
    %squeeze3A_780 = vector.shape_cast %slice3A_779 : vector<1x8x2048xf32> to vector<8x2048xf32>
    %lt3A_781 = arith.cmpf olt, %squeeze3A_780, %select_n3A_775 : vector<8x2048xf32>
    %select_n3A_782 = arith.select %lt3A_781, %squeeze3A_780, %select_n3A_775 : vector<8x2048xi1>, vector<8x2048xf32>
    %jit3A_783 = arith.constant 110 : i32
    %broadcast_in_dim3A_784 = vector.broadcast %jit3A_783 : i32 to vector<8x2048xi32>
    %select_n3A_785 = arith.select %lt3A_781, %broadcast_in_dim3A_784, %select_n3A_778 : vector<8x2048xi1>, vector<8x2048xi32>
    %slice3A_786 = vector.extract_strided_slice %reshape3A {offsets = [111, 0, 0], sizes = [1, 8, 2048], strides = [1, 1, 1]} : vector<128x8x2048xf32> to vector<1x8x2048xf32>
    %squeeze3A_787 = vector.shape_cast %slice3A_786 : vector<1x8x2048xf32> to vector<8x2048xf32>
    %lt3A_788 = arith.cmpf olt, %squeeze3A_787, %select_n3A_782 : vector<8x2048xf32>
    %select_n3A_789 = arith.select %lt3A_788, %squeeze3A_787, %select_n3A_782 : vector<8x2048xi1>, vector<8x2048xf32>
    %jit3A_790 = arith.constant 111 : i32
    %broadcast_in_dim3A_791 = vector.broadcast %jit3A_790 : i32 to vector<8x2048xi32>
    %select_n3A_792 = arith.select %lt3A_788, %broadcast_in_dim3A_791, %select_n3A_785 : vector<8x2048xi1>, vector<8x2048xi32>
    %slice3A_793 = vector.extract_strided_slice %reshape3A {offsets = [112, 0, 0], sizes = [1, 8, 2048], strides = [1, 1, 1]} : vector<128x8x2048xf32> to vector<1x8x2048xf32>
    %squeeze3A_794 = vector.shape_cast %slice3A_793 : vector<1x8x2048xf32> to vector<8x2048xf32>
    %lt3A_795 = arith.cmpf olt, %squeeze3A_794, %select_n3A_789 : vector<8x2048xf32>
    %select_n3A_796 = arith.select %lt3A_795, %squeeze3A_794, %select_n3A_789 : vector<8x2048xi1>, vector<8x2048xf32>
    %jit3A_797 = arith.constant 112 : i32
    %broadcast_in_dim3A_798 = vector.broadcast %jit3A_797 : i32 to vector<8x2048xi32>
    %select_n3A_799 = arith.select %lt3A_795, %broadcast_in_dim3A_798, %select_n3A_792 : vector<8x2048xi1>, vector<8x2048xi32>
    %slice3A_800 = vector.extract_strided_slice %reshape3A {offsets = [113, 0, 0], sizes = [1, 8, 2048], strides = [1, 1, 1]} : vector<128x8x2048xf32> to vector<1x8x2048xf32>
    %squeeze3A_801 = vector.shape_cast %slice3A_800 : vector<1x8x2048xf32> to vector<8x2048xf32>
    %lt3A_802 = arith.cmpf olt, %squeeze3A_801, %select_n3A_796 : vector<8x2048xf32>
    %select_n3A_803 = arith.select %lt3A_802, %squeeze3A_801, %select_n3A_796 : vector<8x2048xi1>, vector<8x2048xf32>
    %jit3A_804 = arith.constant 113 : i32
    %broadcast_in_dim3A_805 = vector.broadcast %jit3A_804 : i32 to vector<8x2048xi32>
    %select_n3A_806 = arith.select %lt3A_802, %broadcast_in_dim3A_805, %select_n3A_799 : vector<8x2048xi1>, vector<8x2048xi32>
    %slice3A_807 = vector.extract_strided_slice %reshape3A {offsets = [114, 0, 0], sizes = [1, 8, 2048], strides = [1, 1, 1]} : vector<128x8x2048xf32> to vector<1x8x2048xf32>
    %squeeze3A_808 = vector.shape_cast %slice3A_807 : vector<1x8x2048xf32> to vector<8x2048xf32>
    %lt3A_809 = arith.cmpf olt, %squeeze3A_808, %select_n3A_803 : vector<8x2048xf32>
    %select_n3A_810 = arith.select %lt3A_809, %squeeze3A_808, %select_n3A_803 : vector<8x2048xi1>, vector<8x2048xf32>
    %jit3A_811 = arith.constant 114 : i32
    %broadcast_in_dim3A_812 = vector.broadcast %jit3A_811 : i32 to vector<8x2048xi32>
    %select_n3A_813 = arith.select %lt3A_809, %broadcast_in_dim3A_812, %select_n3A_806 : vector<8x2048xi1>, vector<8x2048xi32>
    %slice3A_814 = vector.extract_strided_slice %reshape3A {offsets = [115, 0, 0], sizes = [1, 8, 2048], strides = [1, 1, 1]} : vector<128x8x2048xf32> to vector<1x8x2048xf32>
    %squeeze3A_815 = vector.shape_cast %slice3A_814 : vector<1x8x2048xf32> to vector<8x2048xf32>
    %lt3A_816 = arith.cmpf olt, %squeeze3A_815, %select_n3A_810 : vector<8x2048xf32>
    %select_n3A_817 = arith.select %lt3A_816, %squeeze3A_815, %select_n3A_810 : vector<8x2048xi1>, vector<8x2048xf32>
    %jit3A_818 = arith.constant 115 : i32
    %broadcast_in_dim3A_819 = vector.broadcast %jit3A_818 : i32 to vector<8x2048xi32>
    %select_n3A_820 = arith.select %lt3A_816, %broadcast_in_dim3A_819, %select_n3A_813 : vector<8x2048xi1>, vector<8x2048xi32>
    %slice3A_821 = vector.extract_strided_slice %reshape3A {offsets = [116, 0, 0], sizes = [1, 8, 2048], strides = [1, 1, 1]} : vector<128x8x2048xf32> to vector<1x8x2048xf32>
    %squeeze3A_822 = vector.shape_cast %slice3A_821 : vector<1x8x2048xf32> to vector<8x2048xf32>
    %lt3A_823 = arith.cmpf olt, %squeeze3A_822, %select_n3A_817 : vector<8x2048xf32>
    %select_n3A_824 = arith.select %lt3A_823, %squeeze3A_822, %select_n3A_817 : vector<8x2048xi1>, vector<8x2048xf32>
    %jit3A_825 = arith.constant 116 : i32
    %broadcast_in_dim3A_826 = vector.broadcast %jit3A_825 : i32 to vector<8x2048xi32>
    %select_n3A_827 = arith.select %lt3A_823, %broadcast_in_dim3A_826, %select_n3A_820 : vector<8x2048xi1>, vector<8x2048xi32>
    %slice3A_828 = vector.extract_strided_slice %reshape3A {offsets = [117, 0, 0], sizes = [1, 8, 2048], strides = [1, 1, 1]} : vector<128x8x2048xf32> to vector<1x8x2048xf32>
    %squeeze3A_829 = vector.shape_cast %slice3A_828 : vector<1x8x2048xf32> to vector<8x2048xf32>
    %lt3A_830 = arith.cmpf olt, %squeeze3A_829, %select_n3A_824 : vector<8x2048xf32>
    %select_n3A_831 = arith.select %lt3A_830, %squeeze3A_829, %select_n3A_824 : vector<8x2048xi1>, vector<8x2048xf32>
    %jit3A_832 = arith.constant 117 : i32
    %broadcast_in_dim3A_833 = vector.broadcast %jit3A_832 : i32 to vector<8x2048xi32>
    %select_n3A_834 = arith.select %lt3A_830, %broadcast_in_dim3A_833, %select_n3A_827 : vector<8x2048xi1>, vector<8x2048xi32>
    %slice3A_835 = vector.extract_strided_slice %reshape3A {offsets = [118, 0, 0], sizes = [1, 8, 2048], strides = [1, 1, 1]} : vector<128x8x2048xf32> to vector<1x8x2048xf32>
    %squeeze3A_836 = vector.shape_cast %slice3A_835 : vector<1x8x2048xf32> to vector<8x2048xf32>
    %lt3A_837 = arith.cmpf olt, %squeeze3A_836, %select_n3A_831 : vector<8x2048xf32>
    %select_n3A_838 = arith.select %lt3A_837, %squeeze3A_836, %select_n3A_831 : vector<8x2048xi1>, vector<8x2048xf32>
    %jit3A_839 = arith.constant 118 : i32
    %broadcast_in_dim3A_840 = vector.broadcast %jit3A_839 : i32 to vector<8x2048xi32>
    %select_n3A_841 = arith.select %lt3A_837, %broadcast_in_dim3A_840, %select_n3A_834 : vector<8x2048xi1>, vector<8x2048xi32>
    %slice3A_842 = vector.extract_strided_slice %reshape3A {offsets = [119, 0, 0], sizes = [1, 8, 2048], strides = [1, 1, 1]} : vector<128x8x2048xf32> to vector<1x8x2048xf32>
    %squeeze3A_843 = vector.shape_cast %slice3A_842 : vector<1x8x2048xf32> to vector<8x2048xf32>
    %lt3A_844 = arith.cmpf olt, %squeeze3A_843, %select_n3A_838 : vector<8x2048xf32>
    %select_n3A_845 = arith.select %lt3A_844, %squeeze3A_843, %select_n3A_838 : vector<8x2048xi1>, vector<8x2048xf32>
    %jit3A_846 = arith.constant 119 : i32
    %broadcast_in_dim3A_847 = vector.broadcast %jit3A_846 : i32 to vector<8x2048xi32>
    %select_n3A_848 = arith.select %lt3A_844, %broadcast_in_dim3A_847, %select_n3A_841 : vector<8x2048xi1>, vector<8x2048xi32>
    %slice3A_849 = vector.extract_strided_slice %reshape3A {offsets = [120, 0, 0], sizes = [1, 8, 2048], strides = [1, 1, 1]} : vector<128x8x2048xf32> to vector<1x8x2048xf32>
    %squeeze3A_850 = vector.shape_cast %slice3A_849 : vector<1x8x2048xf32> to vector<8x2048xf32>
    %lt3A_851 = arith.cmpf olt, %squeeze3A_850, %select_n3A_845 : vector<8x2048xf32>
    %select_n3A_852 = arith.select %lt3A_851, %squeeze3A_850, %select_n3A_845 : vector<8x2048xi1>, vector<8x2048xf32>
    %jit3A_853 = arith.constant 120 : i32
    %broadcast_in_dim3A_854 = vector.broadcast %jit3A_853 : i32 to vector<8x2048xi32>
    %select_n3A_855 = arith.select %lt3A_851, %broadcast_in_dim3A_854, %select_n3A_848 : vector<8x2048xi1>, vector<8x2048xi32>
    %slice3A_856 = vector.extract_strided_slice %reshape3A {offsets = [121, 0, 0], sizes = [1, 8, 2048], strides = [1, 1, 1]} : vector<128x8x2048xf32> to vector<1x8x2048xf32>
    %squeeze3A_857 = vector.shape_cast %slice3A_856 : vector<1x8x2048xf32> to vector<8x2048xf32>
    %lt3A_858 = arith.cmpf olt, %squeeze3A_857, %select_n3A_852 : vector<8x2048xf32>
    %select_n3A_859 = arith.select %lt3A_858, %squeeze3A_857, %select_n3A_852 : vector<8x2048xi1>, vector<8x2048xf32>
    %jit3A_860 = arith.constant 121 : i32
    %broadcast_in_dim3A_861 = vector.broadcast %jit3A_860 : i32 to vector<8x2048xi32>
    %select_n3A_862 = arith.select %lt3A_858, %broadcast_in_dim3A_861, %select_n3A_855 : vector<8x2048xi1>, vector<8x2048xi32>
    %slice3A_863 = vector.extract_strided_slice %reshape3A {offsets = [122, 0, 0], sizes = [1, 8, 2048], strides = [1, 1, 1]} : vector<128x8x2048xf32> to vector<1x8x2048xf32>
    %squeeze3A_864 = vector.shape_cast %slice3A_863 : vector<1x8x2048xf32> to vector<8x2048xf32>
    %lt3A_865 = arith.cmpf olt, %squeeze3A_864, %select_n3A_859 : vector<8x2048xf32>
    %select_n3A_866 = arith.select %lt3A_865, %squeeze3A_864, %select_n3A_859 : vector<8x2048xi1>, vector<8x2048xf32>
    %jit3A_867 = arith.constant 122 : i32
    %broadcast_in_dim3A_868 = vector.broadcast %jit3A_867 : i32 to vector<8x2048xi32>
    %select_n3A_869 = arith.select %lt3A_865, %broadcast_in_dim3A_868, %select_n3A_862 : vector<8x2048xi1>, vector<8x2048xi32>
    %slice3A_870 = vector.extract_strided_slice %reshape3A {offsets = [123, 0, 0], sizes = [1, 8, 2048], strides = [1, 1, 1]} : vector<128x8x2048xf32> to vector<1x8x2048xf32>
    %squeeze3A_871 = vector.shape_cast %slice3A_870 : vector<1x8x2048xf32> to vector<8x2048xf32>
    %lt3A_872 = arith.cmpf olt, %squeeze3A_871, %select_n3A_866 : vector<8x2048xf32>
    %select_n3A_873 = arith.select %lt3A_872, %squeeze3A_871, %select_n3A_866 : vector<8x2048xi1>, vector<8x2048xf32>
    %jit3A_874 = arith.constant 123 : i32
    %broadcast_in_dim3A_875 = vector.broadcast %jit3A_874 : i32 to vector<8x2048xi32>
    %select_n3A_876 = arith.select %lt3A_872, %broadcast_in_dim3A_875, %select_n3A_869 : vector<8x2048xi1>, vector<8x2048xi32>
    %slice3A_877 = vector.extract_strided_slice %reshape3A {offsets = [124, 0, 0], sizes = [1, 8, 2048], strides = [1, 1, 1]} : vector<128x8x2048xf32> to vector<1x8x2048xf32>
    %squeeze3A_878 = vector.shape_cast %slice3A_877 : vector<1x8x2048xf32> to vector<8x2048xf32>
    %lt3A_879 = arith.cmpf olt, %squeeze3A_878, %select_n3A_873 : vector<8x2048xf32>
    %select_n3A_880 = arith.select %lt3A_879, %squeeze3A_878, %select_n3A_873 : vector<8x2048xi1>, vector<8x2048xf32>
    %jit3A_881 = arith.constant 124 : i32
    %broadcast_in_dim3A_882 = vector.broadcast %jit3A_881 : i32 to vector<8x2048xi32>
    %select_n3A_883 = arith.select %lt3A_879, %broadcast_in_dim3A_882, %select_n3A_876 : vector<8x2048xi1>, vector<8x2048xi32>
    %slice3A_884 = vector.extract_strided_slice %reshape3A {offsets = [125, 0, 0], sizes = [1, 8, 2048], strides = [1, 1, 1]} : vector<128x8x2048xf32> to vector<1x8x2048xf32>
    %squeeze3A_885 = vector.shape_cast %slice3A_884 : vector<1x8x2048xf32> to vector<8x2048xf32>
    %lt3A_886 = arith.cmpf olt, %squeeze3A_885, %select_n3A_880 : vector<8x2048xf32>
    %select_n3A_887 = arith.select %lt3A_886, %squeeze3A_885, %select_n3A_880 : vector<8x2048xi1>, vector<8x2048xf32>
    %jit3A_888 = arith.constant 125 : i32
    %broadcast_in_dim3A_889 = vector.broadcast %jit3A_888 : i32 to vector<8x2048xi32>
    %select_n3A_890 = arith.select %lt3A_886, %broadcast_in_dim3A_889, %select_n3A_883 : vector<8x2048xi1>, vector<8x2048xi32>
    %slice3A_891 = vector.extract_strided_slice %reshape3A {offsets = [126, 0, 0], sizes = [1, 8, 2048], strides = [1, 1, 1]} : vector<128x8x2048xf32> to vector<1x8x2048xf32>
    %squeeze3A_892 = vector.shape_cast %slice3A_891 : vector<1x8x2048xf32> to vector<8x2048xf32>
    %lt3A_893 = arith.cmpf olt, %squeeze3A_892, %select_n3A_887 : vector<8x2048xf32>
    %select_n3A_894 = arith.select %lt3A_893, %squeeze3A_892, %select_n3A_887 : vector<8x2048xi1>, vector<8x2048xf32>
    %jit3A_895 = arith.constant 126 : i32
    %broadcast_in_dim3A_896 = vector.broadcast %jit3A_895 : i32 to vector<8x2048xi32>
    %select_n3A_897 = arith.select %lt3A_893, %broadcast_in_dim3A_896, %select_n3A_890 : vector<8x2048xi1>, vector<8x2048xi32>
    %slice3A_898 = vector.extract_strided_slice %reshape3A {offsets = [127, 0, 0], sizes = [1, 8, 2048], strides = [1, 1, 1]} : vector<128x8x2048xf32> to vector<1x8x2048xf32>
    %squeeze3A_899 = vector.shape_cast %slice3A_898 : vector<1x8x2048xf32> to vector<8x2048xf32>
    %lt3A_900 = arith.cmpf olt, %squeeze3A_899, %select_n3A_894 : vector<8x2048xf32>
    %select_n3A_901 = arith.select %lt3A_900, %squeeze3A_899, %select_n3A_894 : vector<8x2048xi1>, vector<8x2048xf32>
    %jit3A_902 = arith.constant 127 : i32
    %broadcast_in_dim3A_903 = vector.broadcast %jit3A_902 : i32 to vector<8x2048xi32>
    %select_n3A_904 = arith.select %lt3A_900, %broadcast_in_dim3A_903, %select_n3A_897 : vector<8x2048xi1>, vector<8x2048xi32>
    %iota3A = tpu.iota {dimensions = array<i32: 0>} : vector<8x2048xi32>
    %mul3A_905 = arith.constant 8 : i32
    %mul3A_906 = vector.broadcast %mul3A_905 : i32 to vector<8x2048xi32>
    %mul3A_907 = arith.muli %select_n3A_904, %mul3A_906 : vector<8x2048xi32>
    %add3A_908 = arith.addi %mul3A_907, %iota3A : vector<8x2048xi32>
    %reduce_min3A = arith.constant dense<0x7F800000> : vector<2048xf32>
    %reduce_min3A_909 = vector.multi_reduction <minimumf>, %select_n3A_901, %reduce_min3A [0] : vector<8x2048xf32> to vector<2048xf32>
    %broadcast_in_dim3A_910 = vector.shape_cast %reduce_min3A_909 : vector<2048xf32> to vector<1x2048xf32>
    %eq3A_911 = vector.broadcast %broadcast_in_dim3A_910 : vector<1x2048xf32> to vector<8x2048xf32>
    %eq3A_912 = arith.cmpf oeq, %select_n3A_901, %eq3A_911 : vector<8x2048xf32>
    %jit3A_913 = arith.constant 1024 : i32
    %broadcast_in_dim3A_914 = vector.broadcast %jit3A_913 : i32 to vector<8x2048xi32>
    %select_n3A_915 = arith.select %eq3A_912, %add3A_908, %broadcast_in_dim3A_914 : vector<8x2048xi1>, vector<8x2048xi32>
    %reduce_min3A_916 = arith.constant dense<2147483647> : vector<2048xi32>
    %reduce_min3A_917 = vector.multi_reduction <minsi>, %select_n3A_915, %reduce_min3A_916 [0] : vector<8x2048xi32> to vector<2048xi32>
    %swap3A = arith.constant 0 : index
    %swap3A_918 = arith.constant 0 : index
    %swap3A_919 = arith.constant 0 : index
    %swap3A_920 = vector.load %arg3[%swap3A, %swap3A_918, %swap3A_919] : memref<1x1x2048xi32, #tpu.memory_space<vmem>>, vector<1x1x2048xi32>
    %swap3A_921 = vector.shape_cast %swap3A_920 : vector<1x1x2048xi32> to vector<2048xi32>
    %swap3A_922 = vector.shape_cast %reduce_min3A_917 : vector<2048xi32> to vector<1x1x2048xi32>
    tpu.vector_store %arg3[%swap3A, %swap3A_918, %swap3A_919], %swap3A_922 {strides = array<i32>} : memref<1x1x2048xi32, #tpu.memory_space<vmem>>, vector<1x1x2048xi32>,
    %eq3A_923 = arith.constant 0 : i32
    %eq3A_924 = arith.cmpi eq, %arg0, %eq3A_923 : i32
    %convert_element_type3A_925 = arith.extui %eq3A_924 : i1 to i32
    %cond3A_926 = arith.constant 0 : i32
    %cond3A_927 = arith.cmpi ne, %convert_element_type3A_925, %cond3A_926 : i32
    scf.if %cond3A_927 {
      %swap3A_944 = arith.constant 0.000000e+00 : f32
      %swap3A_945 = arith.constant 0 : index
      %swap3A_946 = arith.constant 0 : index
      %swap3A_947 = memref.load %arg4[%swap3A_945, %swap3A_946] : memref<1x1xf32, #tpu.memory_space<smem>>
      memref.store %swap3A_944, %arg4[%swap3A_945, %swap3A_946] : memref<1x1xf32, #tpu.memory_space<smem>>
    } else {
    }
    %get3A_928 = arith.constant 0 : index
    %get3A_929 = arith.constant 0 : index
    %get3A_930 = memref.load %arg4[%get3A_928, %get3A_929] : memref<1x1xf32, #tpu.memory_space<smem>>
    %reduce_sum3A = vector.shape_cast %broadcast_in_dim3A_910 : vector<1x2048xf32> to vector<1x1x2048xf32>
    %reduce_sum3A_931 = arith.constant dense<0.000000e+00> : vector<1xf32>
    %reduce_sum3A_932 = vector.multi_reduction <add>, %reduce_sum3A, %reduce_sum3A_931 [1, 2] : vector<1x1x2048xf32> to vector<1xf32>
    %reduce_sum3A_933 = vector.shape_cast %reduce_sum3A_932 : vector<1xf32> to vector<1x1x1xf32>
    %reduce_sum3A_934 = vector.extract %reduce_sum3A_933[0, 0, 0] : f32 from vector<1x1x1xf32>
    %add3A_935 = arith.addf %get3A_930, %reduce_sum3A_934 : f32
    %swap3A_936 = arith.constant 0 : index
    %swap3A_937 = arith.constant 0 : index
    %swap3A_938 = memref.load %arg4[%swap3A_936, %swap3A_937] : memref<1x1xf32, #tpu.memory_space<smem>>
    memref.store %add3A_935, %arg4[%swap3A_936, %swap3A_937] : memref<1x1xf32, #tpu.memory_space<smem>>
    %eq3A_939 = arith.constant 7 : i32
    %eq3A_940 = arith.cmpi eq, %arg0, %eq3A_939 : i32
    %convert_element_type3A_941 = arith.extui %eq3A_940 : i1 to i32
    %cond3A_942 = arith.constant 0 : i32
    %cond3A_943 = arith.cmpi ne, %convert_element_type3A_941, %cond3A_942 : i32
    scf.if %cond3A_943 {
      %get3A_944 = arith.constant 0 : index
      %get3A_945 = arith.constant 0 : index
      %get3A_946 = memref.load %arg4[%get3A_944, %get3A_945] : memref<1x1xf32, #tpu.memory_space<smem>>
      %mul3A_947 = arith.constant 2.98023224E-7 : f32
      %mul3A_948 = arith.mulf %get3A_946, %mul3A_947 : f32
      %swap3A_949 = arith.constant 0 : index
      %swap3A_950 = arith.constant 0 : index
      %swap3A_951 = memref.load %arg4[%swap3A_949, %swap3A_950] : memref<1x1xf32, #tpu.memory_space<smem>>
      memref.store %mul3A_948, %arg4[%swap3A_949, %swap3A_950] : memref<1x1xf32, #tpu.memory_space<smem>>
    } else {
    }
    return
  }
  func.func @transform_0(%arg0: i32) -> (i32, i32) {
    %c0_i32 = arith.constant 0 : i32
    %c0_i32_0 = arith.constant 0 : i32
    return %arg0, %c0_i32 : i32, i32
  }
  func.func @transform_1(%arg0: i32) -> (i32, i32) {
    %c0_i32 = arith.constant 0 : i32
    %c0_i32_0 = arith.constant 0 : i32
    %c0_i32_1 = arith.constant 0 : i32
    return %c0_i32, %c0_i32_0 : i32, i32
  }
  func.func @transform_2(%arg0: i32) -> (i32, i32, i32) {
    %c0_i32 = arith.constant 0 : i32
    %c0_i32_0 = arith.constant 0 : i32
    %c0_i32_1 = arith.constant 0 : i32
    return %arg0, %c0_i32, %c0_i32_0 : i32, i32, i32
  }
  func.func @transform_3(%arg0: i32) -> (i32, i32) {
    %c0_i32 = arith.constant 0 : i32
    %c0_i32_0 = arith.constant 0 : i32
    %c0_i32_1 = arith.constant 0 : i32
    return %c0_i32, %c0_i32_0 : i32, i32
  }
}

</mosaic_0001>

<sc_bundles>
// kernel: kernel.4.cloned.1.call-start
scs
__scs_entry_jumppad:
0x0: {  	(pc) =	sbr.rel $0x88, $3  }
0x1: {  	(tag) =	ssettag $0x0;
	lr =	simm.s32 $0x1  }
0x2: {  	[smem:$0x3F9F] =	sst lr;
	_ =	strace $0xD0000000  }
0x3: {  	_ = 	snop  }
0x4: {  	_ = 	snop  }
0x5: {  	_ = 	snop  }
0x6: {  	_ = 	snop  }
0x7: {  	_ = 	snop  }
__scs_overlays_trampoline_lowered:
0x8: {  	[smem:$0x3FAE] =	sst s0  }
0x9: {  	[smem:$0x3FAF] =	sst s1  }
0xa: {  	[smem:$0x3FB0] =	sst s2  }
0xb: {  	[smem:$0x3FB1] =	sst s3  }
0xc: {  	[smem:$0x3FB2] =	sst s4  }
0xd: {  	[smem:$0x3FB3] =	sst s5  }
0xe: {  	[smem:$0x3FB4] =	sst s6  }
0xf: {  	[smem:$0x3FB5] =	sst s7  }
0x10: {  	[smem:$0x3FB6] =	sst s8  }
0x11: {  	[smem:$0x3FB7] =	sst s9;
	s0 =	simm.s32 @!p0 $0x0  }
0x12: {  	s1 =	sld [smem:$0x3F9D];
	s0 =	simm.s32 @p0 $0x1  }
0x13: {  	[smem:$0x3FB8] =	sst s0;
	s0 =	simm.s32 @!p1 $0x0  }
0x14: {  	s2 =	sld [smem:$0x3F9C];
	s0 =	simm.s32 @p1 $0x1  }
0x15: {  	[smem:$0x3FB9] =	sst s0;
	s0 =	simm.s32 @!p2 $0x0  }
0x16: {  	s3 =	sld [smem:$0x3FDB];
	s0 =	simm.s32 @p2 $0x1  }
0x17: {  	s4 =	simm.s32 $0x1BF5;
	[smem:$0x3FBB] =	sst s0  }
0x18: {  	s0 =	sld [smem:$0x3F9E];
	_ =	swait.ge [sflag:s4], $0x0  }
0x19: {  	s7 =	sld [smem:$0x3F9F]  }
0x1a: {  	s8 =	sadd.s32 $0xFFFFE003, lr  }
0x1b: {  	s9 =	sadd.s32 $0xFFFFFEF7, lr;
	s5 =	simm.s32 $0xFFFFFFFF;
	p2 =	slt.u32 s8, $0xFFFFF086  }
0x1c: {  	p1 =	slt.u32 s9, $0xF7A;
	s5 =	simm.s32 @!p2 $0x0  }
0x1d: {  	s5 =	simm.s32 @p1 $0x1;
	p0 =	seq.s32 s7, s2  }
0x1e: {  	s7 =	smul.u32 @!p0 $0xF7A, s2;
	p2 =	seq.s32 @!p0 s5, $0x0  }
0x1f: {  	s9 =	smul.u32 $0xF7A, s1;
	s8 =	simm.s32 @!p0 $0x1BF5;
	p2 =	por !p2, p0  }
0x20: {  	[sflag:s8] =	ssyncset.s32 @!p0 $0xFFFFF086;
	s6 =	sadd.s32 @!p0 s3, s7;
	s7 =	simm.s32 @!p0 $0x108  }
0x21: {  	s3 =	sadd.s32 s3, s9;
	s6 =	sadd.s32 @!p0 $0x88, s6;
	s7 =	simm.s32 @p2 $0x1082  }
0x22: {  	[simem:s7], [sflag:s8] =	dma.local @!p0 [hbm:s6], $0xF7A  }
0x23: {  	s9 =	sor.u32 $0xD0000000, s2;
	s6 =	simm.s32 $0x108;
	_ =	swait.ge @!p0 [sflag:s8], $0x0  }
0x24: {  	s3 =	sadd.s32 $0x88, s3;
	s6 =	simm.s32 @!p1 $0x1082;
	[sflag:s4] =	ssyncset.s32 $0xFFFFF086  }
0x25: {  	[simem:s6], [sflag:s4] =	dma.local [hbm:s3], $0xF7A  }
0x26: {  	[smem:$0x3F9F] =	sst s1;
	(tag) =	ssettag s2;
	_ =	strace s9  }
0x27: {  	s1 =	sld [smem:$0x3FAF]  }
0x28: {  	s2 =	sld [smem:$0x3FB0]  }
0x29: {  	s4 =	sld [smem:$0x3FB2]  }
0x2a: {  	p0 =	seq.s32 s5, $0x0;
	s5 =	sld [smem:$0x3FB3]  }
0x2b: {  	s6 =	sld [smem:$0x3FB4]  }
0x2c: {  	s7 =	sld [smem:$0x3FB5]  }
0x2d: {  	s3 =	simm.s32 $0x108;
	s8 =	sld [smem:$0x3FB6]  }
0x2e: {  	s3 =	simm.s32 @!p0 $0x1082;
	s9 =	sld [smem:$0x3FB7]  }
0x2f: {  	lr =	sadd.s32 s0, s3;
	s0 =	sld [smem:$0x3FAE]  }
0x30: {  	s3 =	sld [smem:$0x3FB1]  }
0x31: {  	[smem:$0x3FBA] =	sst s10  }
0x32: {  	s10 =	sld [smem:$0x3FB8];
	_ =	sdelay $0x3  }
0x33: {  	p0 =	seq.s32 s10, $0x1;
	s10 =	sld [smem:$0x3FBA];
	_ =	sdelay $0x3  }
0x34: {  	[smem:$0x3FBA] =	sst s10  }
0x35: {  	s10 =	sld [smem:$0x3FB9];
	_ =	sdelay $0x3  }
0x36: {  	p1 =	seq.s32 s10, $0x1;
	s10 =	sld [smem:$0x3FBA];
	_ =	sdelay $0x3  }
0x37: {  	[smem:$0x3FBA] =	sst s10  }
0x38: {  	s10 =	sld [smem:$0x3FBB]  }
0x39: {  	_ = 	snop;
	(pc) =	sbr.ind lr, $3  }
0x3a: {  	_ = 	snop  }
0x3b: {  	_ = 	snop  }
0x3c: {  	p2 =	seq.s32 s10, $0x1;
	s10 =	sld [smem:$0x3FBA]  }
0x3d: {  	_ =	shalt  }
0x3e: {  	_ =	shalt  }
0x3f: {  	_ =	shalt  }
0x40: {  	_ =	shalt  }
0x41: {  	_ =	shalt  }
0x42: {  	_ =	shalt  }
0x43: {  	_ =	shalt  }
0x44: {  	_ =	shalt  }
0x45: {  	_ =	shalt  }
0x46: {  	_ =	shalt  }
0x47: {  	_ =	shalt  }
0x48: {  	_ =	shalt  }
0x49: {  	_ =	shalt  }
0x4a: {  	_ =	shalt  }
0x4b: {  	_ =	shalt  }
0x4c: {  	_ =	shalt  }
0x4d: {  	_ =	shalt  }
0x4e: {  	_ =	shalt  }
0x4f: {  	_ =	shalt  }
0x50: {  	_ =	shalt  }
0x51: {  	_ =	shalt  }
0x52: {  	_ =	shalt  }
0x53: {  	_ =	shalt  }
0x54: {  	_ =	shalt  }
0x55: {  	_ =	shalt  }
0x56: {  	_ =	shalt  }
0x57: {  	_ =	shalt  }
0x58: {  	_ =	shalt  }
0x59: {  	_ =	shalt  }
0x5a: {  	_ =	shalt  }
0x5b: {  	_ =	shalt  }
0x5c: {  	_ =	shalt  }
0x5d: {  	_ =	shalt  }
0x5e: {  	_ =	shalt  }
0x5f: {  	_ =	shalt  }
0x60: {  	_ =	shalt  }
0x61: {  	_ =	shalt  }
0x62: {  	_ =	shalt  }
0x63: {  	_ =	shalt  }
0x64: {  	_ =	shalt  }
0x65: {  	_ =	shalt  }
0x66: {  	_ =	shalt  }
0x67: {  	_ =	shalt  }
0x68: {  	_ =	shalt  }
0x69: {  	_ =	shalt  }
0x6a: {  	_ =	shalt  }
0x6b: {  	_ =	shalt  }
0x6c: {  	_ =	shalt  }
0x6d: {  	_ =	shalt  }
0x6e: {  	_ =	shalt  }
0x6f: {  	_ =	shalt  }
0x70: {  	_ =	shalt  }
0x71: {  	_ =	shalt  }
0x72: {  	_ =	shalt  }
0x73: {  	_ =	shalt  }
0x74: {  	_ =	shalt  }
0x75: {  	_ =	shalt  }
0x76: {  	_ =	shalt  }
0x77: {  	_ =	shalt  }
0x78: {  	_ =	shalt  }
0x79: {  	_ =	shalt  }
0x7a: {  	_ =	shalt  }
0x7b: {  	_ =	shalt  }
0x7c: {  	_ =	shalt  }
0x7d: {  	_ =	shalt  }
0x7e: {  	_ =	shalt  }
0x7f: {  	_ =	shalt  }
0x80: {  	_ =	shalt  }
0x81: {  	_ =	shalt  }
0x82: {  	_ =	shalt  }
0x83: {  	_ =	shalt  }
0x84: {  	_ =	shalt  }
0x85: {  	_ =	shalt  }
0x86: {  	_ =	shalt  }
0x87: {  	_ =	shalt  }
.Lfunc_end0:
.L_simem_size_0:
called_computation_lowered:
.L_overlay_start_0:
0x88: {  	s2 =	sld [smem:$0x3FD9]  }
0x89: {  	s3 =	sld [smem:$0x3FFE];
	_ =	sdelay $0x1  }
0x8a: {  	s1 =	srdreg.scid  }
0x8b: {  	s0 =	sand.u32 $0x1, s1  }
0x8c: {  	s15 =	sshll.u32 s0, $0xA;
	s2 =	sadd.s32 s3, s2  }
0x8d: {  	s2 =	sadd.s32 s2, s15  }
0x8e: {  	[smem:$0x3FC6] =	sst s2  }
0x8f: {  	_ = 	snop  }
0x90: {  	s2 =	sld [smem:$0x3FD0];
	_ =	sdelay $0x2  }
0x91: {  	s4 =	simm.s32 $0xA;
	s5 =	simm.s32 $0x10;
	s16 =	sld [smem:$0x3FC8]  }
0x92: {  	[smem:s5], [sflag:s4] =	dma.local [hbm:s2], $0x1  }
0x93: {  	_ =	swait.eq [sflag:s4], $0x1  }
0x94: {  	[sflag:s4] =	ssyncset.done $0x0  }
0x95: {  	s17 =	sld [smem:$0x10];
	[sflag:s4] =	ssyncadd.s32 $0xFFFFFFFF  }
0x96: {  	s18 =	sld [smem:$0x12];
	(tm) =	ssettm $0x1  }
0x97: {  	s19 =	sld [smem:$0x3FFB];
	_ =	sdelay $0x3  }
0x98: {  	_ =	strace s19  }
0x99: {  	s5 =	sld [smem:$0x3FFC];
	_ =	sdelay $0x3  }
0x9a: {  	_ =	strace s5  }
0x9b: {  	s5 =	sld [smem:$0x3FFD];
	_ =	sdelay $0x3  }
0x9c: {  	_ =	strace s5  }
0x9d: {  	_ =	strace $0x8FFFFFFF  }
0x9e: {  	s20 =	sld [smem:$0x3FDB];
	_ =	sdelay $0x1  }
0x9f: {  	s6 =	simm.s32 $_scs_section_size  }
0xa0: {  	s7 =	simm.s32 $_size__tile_overlayer_lowered;
	s8 =	simm.s32 $_tile_overlayer_lowered  }
0xa1: {  	s23 =	simm.s32 $0x1BFF;
	s22 =	sshll.u32 s8, $0x1;
	s5 =	sadd.s32 s6, s20  }
0xa2: {  	s9 =	simm.s32 $0x0;
	s21 =	sshll.u32 s7, $0x1;
	s7 =	sadd.s32 s22, s5  }
0xa3: {  	[timem:s9], [sflag:s23] =	dma.local [hbm:s7], s21  }
0xa4: {  	_ =	swait.ge [sflag:s23], s21  }
0xa5: {  	s6 =	ssub.s32 $0x0, s21;
	[sflag:s23] =	ssyncset.done $0x0  }
0xa6: {  	[sflag:s23] =	ssyncadd.s32 s6;
	_ =	sdelay $0x1  }
0xa7: {  	s24 =	simm.s32 $0x1B8B  }
0xa8: {  	_ =	swait.ge [sflag:s24], $0x1  }
0xa9: {  	[sflag:s24] =	ssyncset.done $0x0  }
0xaa: {  	s25 =	simm.s32 $0x1B8E;
	[sflag:s24] =	ssyncadd.s32 $0xFFFFFFFF  }
0xab: {  	s26 =	simm.s32 $execute0_lowered;
	[smem:$0x3FD2] =	sst s25  }
0xac: {  	s6 =	sshll.u32 s26, $0x1;
	_ =	strace $0x80000046;
	[dreg:$0x1] =	wrdreg $0xFFFFFFFF  }
0xad: {  	s28 =	simm.s32 $_size_execute0_lowered;
	s5 =	sadd.s32 s5, s6;
	[dreg:$0x0] =	wrdreg $0x0  }
0xae: {  	s6 =	sshll.u32 s28, $0x1;
	[dreg:$0x2] =	wrdreg s5  }
0xaf: {  	[dreg:$0x3] =	wrdreg s6  }
0xb0: {  	[dreg:$0x4] =	wrdreg $0xC0  }
0xb1: {  	_ =	task [dreg:s9], $0x5FFFF  }
0xb2: {  	[dreg:$0x1] =	wrdreg $0xFFFFFFFF  }
0xb3: {  	[dreg:$0x0] =	wrdreg $0x60  }
0xb4: {  	[dreg:$0x2] =	wrdreg s16  }
0xb5: {  	[dreg:$0x3] =	wrdreg s18  }
0xb6: {  	[dreg:$0x4] =	wrdreg s17  }
0xb7: {  	[dreg:$0x5] =	wrdreg $0x9  }
0xb8: {  	_ =	task.clear_ibuf [dreg:s9], $0x6FFFF;
	_ =	strace $0x90000046  }
0xb9: {  	s29 =	simm.s32 $0x9;
	_ =	strace $0x80000048  }
0xba: {  	_ =	swait.ge [sflag:s29], $0x1  }
0xbb: {  	[sflag:s29] =	ssyncadd.s32 $0xFFFFFFFF  }
0xbc: {  	_ =	strace $0x90000048  }
0xbd: {  	_ =	sfence  }
0xbe: {  	s30 =	sld [smem:$0x0];
	_ =	sdelay $0x2  }
0xbf: {  	s31 =	sshll.u32 s1, $0xD;
	s1 =	sshrl.u32 s1, $0x2  }
0xc0: {  	s3 =	sand.u32 $0x4000, s31;
	s1 =	sadd.s32 s1, s30  }
0xc1: {  	s0 =	sor.u32 s3, s0;
	s1 =	sshll.u32 s1, $0x11  }
0xc2: {  	s0 =	sor.u32 s1, s0  }
0xc3: {  	s0 =	sadd.s32 $0x8F2B, s0  }
0xc4: {  	[sflag:s0] =	ssyncadd.remote.s32 $0x1  }
0xc5: {  	_ =	sfence.sel $0xFFFF  }
0xc6: {  	[dreg:$0x0] =	wrdreg $0xFFFFFFFF;
	(pc) =	sbr.abs _section_cstart, $3  }
0xc7: {  	[dreg:$0x1] =	wrdreg $0xFFFFFFFF  }
0xc8: {  	_ =	task.clear_ibuf [dreg:s9], $0x2FFFF;
	_ =	strace $0x9FFFFFFF  }
0xc9: {  	(tm) =	ssettm $0x7FFFFFFF  }
tec
execute0_lowered:
.L_overlay_start_1:
0x0: {  	(tag) =	ssettag $0x1  }
0x1: {  	s1 =	rddreg [dreg:$0x0]  }
0x2: {  	s0 =	srdreg.scid;
	s2 =	rddreg [dreg:$0x1]  }
0x3: {  	s3 =	stileid.u32;
	s4 =	rddreg [dreg:$0x2];
	s15 =	simm.s32 $0x2  }
0x4: {  	s17 =	simm.s32 $0x1200;
	s18 =	simm.s32 $0x1A00;
	s19 =	simm.s32 $0x2200  }
0x5: {  	s20 =	simm.s32 $0x2A00;
	s21 =	simm.s32 $0x3200;
	s22 =	simm.s32 $0x3A00  }
0x6: {  	s28 =	simm.s32 $0x5A00;
	s29 =	simm.s32 $0x6200;
	s30 =	simm.s32 $0x6A00  }
0x7: {  	s31 =	simm.s32 $0x7200;
	s8 =	simm.s32 $0x9200;
	s9 =	simm.s32 $0x9A00  }
0x8: {  	s10 =	simm.s32 $0xA200;
	s11 =	simm.s32 $0xAA00;
	s0 =	sand.u32 $0x1, s0  }
0x9: {  	s13 =	simm.s32 $0xBA00;
	s5 =	sshll.u32 s3, $0xA;
	s6 =	sshll.u32 s0, $0x9  }
0xa: {  	s14 =	simm.s32 $0x200;
	s3 =	simm.s32 $0x0;
	s5 =	sor.u32 s6, s5  }
0xb: {  	[smem:$0x7FF] =	sst s3;
	s0 =	ssub.s32 $0x2, s0;
	s6 =	sshrl.u32 s5, $0x3  }
0xc: {  	_ =	strace $0x80000047;
	s5 =	sshll.u32 s5, $0x5;
	s2 =	sadd.s32 s2, s6  }
0xd: {  	s25 =	sshrl.u32 s0, $0x1;
	s4 =	sadd.s32 s4, s5;
	[dreg:$0x4] =	wrdreg s2  }
0xe: {  	s0 =	ssub.s32 s0, s25;
	s23 =	sadd.s32 $0x1000, s4;
	[dreg:$0x8] =	wrdreg s4  }
0xf: {  	s25 =	simm.s32 $0x4A00;
	s24 =	sadd.s32 $0x2000, s4;
	[dreg:$0x5] =	wrdreg s23  }
0x10: {  	v2 =	vlaneseq.u32;
	s5 =	smax.u32 s0, $0x1;
	s26 =	sadd.s32 $0x3000, s4;
	[dreg:$0x6] =	wrdreg s24  }
0x11: {  	vm0 =	vmmov $0xffff;
	v1 =	vshrl.u32 v2, $0x3;
	s6 =	simm.s32 $0x3;
	s4 =	simm.s32 $0x1;
	[dreg:$0x7] =	wrdreg s26  }
0x12: {  	v0 =	vand.u32 $0x7, v2;
	v2 =	vor.u32 $0x8, v2;
	v1 =	vmul.u32 $0x8, v1;
	s24 =	simm.s32 $0x4200;
	s26 =	simm.s32 $0x5200;
	s23 =	simm.s32 $0x8A00  }
.LBB2_1:
0x13: {  	s16 =	rddreg [dreg:$0x4]  }
0x14: {  	[tilespmem:s3], [sflag:$0x3] =	stream.linear.gather [hbm4b:s16+s3], $0x200, $0x38;
	[tilespmem:$0x10200] =	vst v63  }
0x15: {  	_ =	swait.ge [sflag:s6], $0x200  }
0x16: {  	[sflag:s6] =	ssyncset.done $0x0  }
0x17: {  	[sflag:s6] =	ssyncadd.s32 $0xFFFFFE00  }
0x18: {  	v3 =	vld [tilespmem:$0x0];
	_ =	sdelay $0x4  }
0x19: {  	v4 =	vshll.u32 v3, $0x1  }
0x1a: {  	v3 =	vand.u32 $0x7, v3;
	v4 =	vand.u32 $0xFFFFFFF0, v4  }
0x1b: {  	v3 =	vor.u32 v3, v4  }
0x1c: {  	v4 =	vperm.xlane v3, v0;
	_ =	sdelay $0x1  }
0x1d: {  	v3 =	vperm.xlane v3, v2;
	v4 =	vadd.s32 v1, v4;
	_ =	sdelay $0x1  }
0x1e: {  	v3 =	vadd.s32 v1, v3;
	_ =	sdelay $0x1  }
0x1f: {  	s0 =	simm.s32 $0x200  }
0x20: {  	[tilespmem:s0], [sflag:$0x1] =	stream.indirect_vreg.gather [hbm4b:s1+s3], $0x80, v4, vm0, $0xb8;
	[tilespmem:$0x10200] =	vst v63  }
0x21: {  	s16 =	simm.s32 $0xA00  }
0x22: {  	[tilespmem:s16], [sflag:$0x1] =	stream.indirect_vreg.gather [hbm4b:s1+s3], $0x80, v3, vm0, $0xb8;
	[tilespmem:$0x10200] =	vst v63  }
0x23: {  	v3 =	vld [tilespmem:$0x10];
	_ =	sdelay $0x4  }
0x24: {  	v33 =	vshll.u32 v3, $0x1  }
0x25: {  	v3 =	vand.u32 $0x7, v3;
	v4 =	vand.u32 $0xFFFFFFF0, v33  }
0x26: {  	v3 =	vor.u32 v3, v4  }
0x27: {  	v4 =	vperm.xlane v3, v0;
	_ =	sdelay $0x1  }
0x28: {  	v3 =	vperm.xlane v3, v2;
	v4 =	vadd.s32 v1, v4;
	_ =	sdelay $0x1  }
0x29: {  	v3 =	vadd.s32 v1, v3;
	_ =	sdelay $0x2  }
0x2a: {  	[tilespmem:s17], [sflag:$0x1] =	stream.indirect_vreg.gather [hbm4b:s1+s3], $0x80, v4, vm0, $0xb8;
	[tilespmem:$0x10200] =	vst v63  }
0x2b: {  	_ = 	snop  }
0x2c: {  	[tilespmem:s18], [sflag:$0x1] =	stream.indirect_vreg.gather [hbm4b:s1+s3], $0x80, v3, vm0, $0xb8;
	[tilespmem:$0x10200] =	vst v63  }
0x2d: {  	v3 =	vld [tilespmem:$0x20];
	_ =	sdelay $0x4  }
0x2e: {  	v34 =	vshll.u32 v3, $0x1  }
0x2f: {  	v3 =	vand.u32 $0x7, v3;
	v4 =	vand.u32 $0xFFFFFFF0, v34  }
0x30: {  	v3 =	vor.u32 v3, v4  }
0x31: {  	v4 =	vperm.xlane v3, v0;
	_ =	sdelay $0x1  }
0x32: {  	v3 =	vperm.xlane v3, v2;
	v4 =	vadd.s32 v1, v4;
	_ =	sdelay $0x1  }
0x33: {  	v3 =	vadd.s32 v1, v3;
	_ =	sdelay $0x2  }
0x34: {  	[tilespmem:s19], [sflag:$0x1] =	stream.indirect_vreg.gather [hbm4b:s1+s3], $0x80, v4, vm0, $0xb8;
	[tilespmem:$0x10200] =	vst v63  }
0x35: {  	_ = 	snop  }
0x36: {  	[tilespmem:s20], [sflag:$0x1] =	stream.indirect_vreg.gather [hbm4b:s1+s3], $0x80, v3, vm0, $0xb8;
	[tilespmem:$0x10200] =	vst v63  }
0x37: {  	v3 =	vld [tilespmem:$0x30];
	_ =	sdelay $0x4  }
0x38: {  	v35 =	vshll.u32 v3, $0x1  }
0x39: {  	v3 =	vand.u32 $0x7, v3;
	v4 =	vand.u32 $0xFFFFFFF0, v35  }
0x3a: {  	v3 =	vor.u32 v3, v4  }
0x3b: {  	v4 =	vperm.xlane v3, v0;
	_ =	sdelay $0x1  }
0x3c: {  	v3 =	vperm.xlane v3, v2;
	v4 =	vadd.s32 v1, v4;
	_ =	sdelay $0x1  }
0x3d: {  	v3 =	vadd.s32 v1, v3;
	_ =	sdelay $0x2  }
0x3e: {  	[tilespmem:s21], [sflag:$0x1] =	stream.indirect_vreg.gather [hbm4b:s1+s3], $0x80, v4, vm0, $0xb8;
	[tilespmem:$0x10200] =	vst v63  }
0x3f: {  	_ = 	snop  }
0x40: {  	[tilespmem:s22], [sflag:$0x1] =	stream.indirect_vreg.gather [hbm4b:s1+s3], $0x80, v3, vm0, $0xb8;
	[tilespmem:$0x10200] =	vst v63  }
0x41: {  	v3 =	vld [tilespmem:$0x40];
	_ =	sdelay $0x4  }
0x42: {  	v36 =	vshll.u32 v3, $0x1  }
0x43: {  	v3 =	vand.u32 $0x7, v3;
	v4 =	vand.u32 $0xFFFFFFF0, v36  }
0x44: {  	v3 =	vor.u32 v3, v4  }
0x45: {  	v4 =	vperm.xlane v3, v0;
	_ =	sdelay $0x1  }
0x46: {  	v3 =	vperm.xlane v3, v2;
	v4 =	vadd.s32 v1, v4;
	_ =	sdelay $0x1  }
0x47: {  	v3 =	vadd.s32 v1, v3;
	_ =	sdelay $0x2  }
0x48: {  	[tilespmem:s24], [sflag:$0x1] =	stream.indirect_vreg.gather [hbm4b:s1+s3], $0x80, v4, vm0, $0xb8;
	[tilespmem:$0x10200] =	vst v63  }
0x49: {  	_ = 	snop  }
0x4a: {  	[tilespmem:s25], [sflag:$0x1] =	stream.indirect_vreg.gather [hbm4b:s1+s3], $0x80, v3, vm0, $0xb8;
	[tilespmem:$0x10200] =	vst v63  }
0x4b: {  	v3 =	vld [tilespmem:$0x50];
	_ =	sdelay $0x4  }
0x4c: {  	v37 =	vshll.u32 v3, $0x1  }
0x4d: {  	v3 =	vand.u32 $0x7, v3;
	v4 =	vand.u32 $0xFFFFFFF0, v37  }
0x4e: {  	v3 =	vor.u32 v3, v4  }
0x4f: {  	v4 =	vperm.xlane v3, v0;
	_ =	sdelay $0x1  }
0x50: {  	v3 =	vperm.xlane v3, v2;
	v4 =	vadd.s32 v1, v4;
	_ =	sdelay $0x1  }
0x51: {  	v3 =	vadd.s32 v1, v3;
	_ =	sdelay $0x2  }
0x52: {  	[tilespmem:s26], [sflag:$0x1] =	stream.indirect_vreg.gather [hbm4b:s1+s3], $0x80, v4, vm0, $0xb8;
	[tilespmem:$0x10200] =	vst v63  }
0x53: {  	_ = 	snop  }
0x54: {  	[tilespmem:s28], [sflag:$0x1] =	stream.indirect_vreg.gather [hbm4b:s1+s3], $0x80, v3, vm0, $0xb8;
	[tilespmem:$0x10200] =	vst v63  }
0x55: {  	v3 =	vld [tilespmem:$0x60];
	_ =	sdelay $0x4  }
0x56: {  	v38 =	vshll.u32 v3, $0x1  }
0x57: {  	v3 =	vand.u32 $0x7, v3;
	v4 =	vand.u32 $0xFFFFFFF0, v38  }
0x58: {  	v3 =	vor.u32 v3, v4  }
0x59: {  	v4 =	vperm.xlane v3, v0;
	_ =	sdelay $0x1  }
0x5a: {  	v3 =	vperm.xlane v3, v2;
	v4 =	vadd.s32 v1, v4;
	_ =	sdelay $0x1  }
0x5b: {  	v3 =	vadd.s32 v1, v3;
	_ =	sdelay $0x2  }
0x5c: {  	[tilespmem:s29], [sflag:$0x1] =	stream.indirect_vreg.gather [hbm4b:s1+s3], $0x80, v4, vm0, $0xb8;
	[tilespmem:$0x10200] =	vst v63  }
0x5d: {  	_ = 	snop  }
0x5e: {  	[tilespmem:s30], [sflag:$0x1] =	stream.indirect_vreg.gather [hbm4b:s1+s3], $0x80, v3, vm0, $0xb8;
	[tilespmem:$0x10200] =	vst v63  }
0x5f: {  	v3 =	vld [tilespmem:$0x70];
	_ =	sdelay $0x4  }
0x60: {  	v39 =	vshll.u32 v3, $0x1  }
0x61: {  	v3 =	vand.u32 $0x7, v3;
	v4 =	vand.u32 $0xFFFFFFF0, v39  }
0x62: {  	v3 =	vor.u32 v3, v4  }
0x63: {  	v4 =	vperm.xlane v3, v0;
	_ =	sdelay $0x1  }
0x64: {  	v3 =	vperm.xlane v3, v2;
	v4 =	vadd.s32 v1, v4;
	_ =	sdelay $0x1  }
0x65: {  	v3 =	vadd.s32 v1, v3;
	_ =	sdelay $0x2  }
0x66: {  	[tilespmem:s31], [sflag:$0x1] =	stream.indirect_vreg.gather [hbm4b:s1+s3], $0x80, v4, vm0, $0xb8;
	[tilespmem:$0x10200] =	vst v63  }
0x67: {  	s2 =	simm.s32 $0x7A00  }
0x68: {  	[tilespmem:s2], [sflag:$0x1] =	stream.indirect_vreg.gather [hbm4b:s1+s3], $0x80, v3, vm0, $0xb8;
	[tilespmem:$0x10200] =	vst v63  }
0x69: {  	v3 =	vld [tilespmem:$0x80];
	_ =	sdelay $0x4  }
0x6a: {  	v40 =	vshll.u32 v3, $0x1  }
0x6b: {  	v3 =	vand.u32 $0x7, v3;
	v4 =	vand.u32 $0xFFFFFFF0, v40  }
0x6c: {  	v3 =	vor.u32 v3, v4  }
0x6d: {  	v4 =	vperm.xlane v3, v0;
	_ =	sdelay $0x1  }
0x6e: {  	v3 =	vperm.xlane v3, v2;
	v4 =	vadd.s32 v1, v4;
	_ =	sdelay $0x1  }
0x6f: {  	v3 =	vadd.s32 v1, v3;
	_ =	sdelay $0x1  }
0x70: {  	s0 =	simm.s32 $0x8200  }
0x71: {  	[tilespmem:s0], [sflag:$0x2] =	stream.indirect_vreg.gather [hbm4b:s1+s3], $0x80, v4, vm0, $0xb8;
	[tilespmem:$0x10200] =	vst v63  }
0x72: {  	_ = 	snop  }
0x73: {  	[tilespmem:s23], [sflag:$0x2] =	stream.indirect_vreg.gather [hbm4b:s1+s3], $0x80, v3, vm0, $0xb8;
	[tilespmem:$0x10200] =	vst v63  }
0x74: {  	v3 =	vld [tilespmem:$0x90];
	_ =	sdelay $0x4  }
0x75: {  	v41 =	vshll.u32 v3, $0x1  }
0x76: {  	v3 =	vand.u32 $0x7, v3;
	v4 =	vand.u32 $0xFFFFFFF0, v41  }
0x77: {  	v3 =	vor.u32 v3, v4  }
0x78: {  	v4 =	vperm.xlane v3, v0;
	_ =	sdelay $0x1  }
0x79: {  	v3 =	vperm.xlane v3, v2;
	v4 =	vadd.s32 v1, v4;
	_ =	sdelay $0x1  }
0x7a: {  	v3 =	vadd.s32 v1, v3;
	_ =	sdelay $0x2  }
0x7b: {  	[tilespmem:s8], [sflag:$0x2] =	stream.indirect_vreg.gather [hbm4b:s1+s3], $0x80, v4, vm0, $0xb8;
	[tilespmem:$0x10200] =	vst v63  }
0x7c: {  	_ = 	snop  }
0x7d: {  	[tilespmem:s9], [sflag:$0x2] =	stream.indirect_vreg.gather [hbm4b:s1+s3], $0x80, v3, vm0, $0xb8;
	[tilespmem:$0x10200] =	vst v63  }
0x7e: {  	v3 =	vld [tilespmem:$0xA0];
	_ =	sdelay $0x4  }
0x7f: {  	v42 =	vshll.u32 v3, $0x1  }
0x80: {  	v3 =	vand.u32 $0x7, v3;
	v4 =	vand.u32 $0xFFFFFFF0, v42  }
0x81: {  	v3 =	vor.u32 v3, v4  }
0x82: {  	v4 =	vperm.xlane v3, v0;
	_ =	sdelay $0x1  }
0x83: {  	v3 =	vperm.xlane v3, v2;
	v4 =	vadd.s32 v1, v4;
	_ =	sdelay $0x1  }
0x84: {  	v3 =	vadd.s32 v1, v3;
	_ =	sdelay $0x2  }
0x85: {  	[tilespmem:s10], [sflag:$0x2] =	stream.indirect_vreg.gather [hbm4b:s1+s3], $0x80, v4, vm0, $0xb8;
	[tilespmem:$0x10200] =	vst v63  }
0x86: {  	_ = 	snop  }
0x87: {  	[tilespmem:s11], [sflag:$0x2] =	stream.indirect_vreg.gather [hbm4b:s1+s3], $0x80, v3, vm0, $0xb8;
	[tilespmem:$0x10200] =	vst v63  }
0x88: {  	v3 =	vld [tilespmem:$0xB0];
	_ =	sdelay $0x4  }
0x89: {  	v43 =	vshll.u32 v3, $0x1  }
0x8a: {  	v3 =	vand.u32 $0x7, v3;
	v4 =	vand.u32 $0xFFFFFFF0, v43  }
0x8b: {  	v3 =	vor.u32 v3, v4  }
0x8c: {  	v4 =	vperm.xlane v3, v0;
	_ =	sdelay $0x1  }
0x8d: {  	v3 =	vperm.xlane v3, v2;
	v4 =	vadd.s32 v1, v4;
	_ =	sdelay $0x1  }
0x8e: {  	v3 =	vadd.s32 v1, v3;
	_ =	sdelay $0x1  }
0x8f: {  	s7 =	simm.s32 $0xB200  }
0x90: {  	[tilespmem:s7], [sflag:$0x2] =	stream.indirect_vreg.gather [hbm4b:s1+s3], $0x80, v4, vm0, $0xb8;
	[tilespmem:$0x10200] =	vst v63  }
0x91: {  	_ = 	snop  }
0x92: {  	[tilespmem:s13], [sflag:$0x2] =	stream.indirect_vreg.gather [hbm4b:s1+s3], $0x80, v3, vm0, $0xb8;
	[tilespmem:$0x10200] =	vst v63  }
0x93: {  	v3 =	vld [tilespmem:$0xC0];
	_ =	sdelay $0x4  }
0x94: {  	v44 =	vshll.u32 v3, $0x1  }
0x95: {  	v3 =	vand.u32 $0x7, v3;
	v4 =	vand.u32 $0xFFFFFFF0, v44  }
0x96: {  	v3 =	vor.u32 v3, v4  }
0x97: {  	v4 =	vperm.xlane v3, v0;
	_ =	sdelay $0x1  }
0x98: {  	v3 =	vperm.xlane v3, v2;
	v4 =	vadd.s32 v1, v4;
	_ =	sdelay $0x1  }
0x99: {  	v3 =	vadd.s32 v1, v3;
	_ =	sdelay $0x1  }
0x9a: {  	s7 =	simm.s32 $0xC200  }
0x9b: {  	[tilespmem:s7], [sflag:$0x2] =	stream.indirect_vreg.gather [hbm4b:s1+s3], $0x80, v4, vm0, $0xb8;
	[tilespmem:$0x10200] =	vst v63  }
0x9c: {  	s12 =	simm.s32 $0xCA00  }
0x9d: {  	[tilespmem:s12], [sflag:$0x2] =	stream.indirect_vreg.gather [hbm4b:s1+s3], $0x80, v3, vm0, $0xb8;
	[tilespmem:$0x10200] =	vst v63  }
0x9e: {  	v3 =	vld [tilespmem:$0xD0];
	_ =	sdelay $0x4  }
0x9f: {  	v45 =	vshll.u32 v3, $0x1  }
0xa0: {  	v3 =	vand.u32 $0x7, v3;
	v4 =	vand.u32 $0xFFFFFFF0, v45  }
0xa1: {  	v3 =	vor.u32 v3, v4  }
0xa2: {  	v4 =	vperm.xlane v3, v0;
	_ =	sdelay $0x1  }
0xa3: {  	v3 =	vperm.xlane v3, v2;
	v4 =	vadd.s32 v1, v4;
	_ =	sdelay $0x1  }
0xa4: {  	v3 =	vadd.s32 v1, v3;
	_ =	sdelay $0x1  }
0xa5: {  	s12 =	simm.s32 $0xD200  }
0xa6: {  	[tilespmem:s12], [sflag:$0x2] =	stream.indirect_vreg.gather [hbm4b:s1+s3], $0x80, v4, vm0, $0xb8;
	[tilespmem:$0x10200] =	vst v63  }
0xa7: {  	s12 =	simm.s32 $0xDA00  }
0xa8: {  	[tilespmem:s12], [sflag:$0x2] =	stream.indirect_vreg.gather [hbm4b:s1+s3], $0x80, v3, vm0, $0xb8;
	[tilespmem:$0x10200] =	vst v63  }
0xa9: {  	v3 =	vld [tilespmem:$0xE0];
	_ =	sdelay $0x4  }
0xaa: {  	v46 =	vshll.u32 v3, $0x1  }
0xab: {  	v3 =	vand.u32 $0x7, v3;
	v4 =	vand.u32 $0xFFFFFFF0, v46  }
0xac: {  	v3 =	vor.u32 v3, v4  }
0xad: {  	v4 =	vperm.xlane v3, v0;
	_ =	sdelay $0x1  }
0xae: {  	v3 =	vperm.xlane v3, v2;
	v4 =	vadd.s32 v1, v4;
	_ =	sdelay $0x1  }
0xaf: {  	v3 =	vadd.s32 v1, v3;
	_ =	sdelay $0x1  }
0xb0: {  	s12 =	simm.s32 $0xE200  }
0xb1: {  	[tilespmem:s12], [sflag:$0x2] =	stream.indirect_vreg.gather [hbm4b:s1+s3], $0x80, v4, vm0, $0xb8;
	[tilespmem:$0x10200] =	vst v63  }
0xb2: {  	s12 =	simm.s32 $0xEA00  }
0xb3: {  	[tilespmem:s12], [sflag:$0x2] =	stream.indirect_vreg.gather [hbm4b:s1+s3], $0x80, v3, vm0, $0xb8;
	[tilespmem:$0x10200] =	vst v63  }
0xb4: {  	v3 =	vld [tilespmem:$0xF0];
	_ =	sdelay $0x4  }
0xb5: {  	v47 =	vshll.u32 v3, $0x1  }
0xb6: {  	v3 =	vand.u32 $0x7, v3;
	v4 =	vand.u32 $0xFFFFFFF0, v47  }
0xb7: {  	v3 =	vor.u32 v3, v4  }
0xb8: {  	v4 =	vperm.xlane v3, v0;
	_ =	sdelay $0x1  }
0xb9: {  	v3 =	vperm.xlane v3, v2;
	v4 =	vadd.s32 v1, v4;
	_ =	sdelay $0x1  }
0xba: {  	v3 =	vadd.s32 v1, v3;
	_ =	sdelay $0x1  }
0xbb: {  	s12 =	simm.s32 $0xF200  }
0xbc: {  	[tilespmem:s12], [sflag:$0x2] =	stream.indirect_vreg.gather [hbm4b:s1+s3], $0x80, v4, vm0, $0xb8;
	[tilespmem:$0x10200] =	vst v63  }
0xbd: {  	s12 =	simm.s32 $0xFA00  }
0xbe: {  	[tilespmem:s12], [sflag:$0x2] =	stream.indirect_vreg.gather [hbm4b:s1+s3], $0x80, v3, vm0, $0xb8;
	[tilespmem:$0x10200] =	vst v63  }
0xbf: {  	_ =	swait.ge [sflag:s4], $0x8000  }
0xc0: {  	[sflag:s4] =	ssyncset.done $0x0  }
0xc1: {  	s12 =	rddreg [dreg:$0x8];
	[sflag:s4] =	ssyncadd.s32 $0xFFFF8000  }
0xc2: {  	[hbm4b:s12+s3] =	stream.linear.scatter [tilespmem:s14], [sflag:$0x3], $0x8000, $0x38;
	[tilespmem:$0x10200] =	vst v63  }
0xc3: {  	_ =	swait.ge [sflag:s6], $0x8000  }
0xc4: {  	[sflag:s6] =	ssyncset.done $0x0  }
0xc5: {  	[sflag:s6] =	ssyncadd.s32 $0xFFFF8000  }
0xc6: {  	v3 =	vld [tilespmem:$0x100];
	_ =	sdelay $0x4  }
0xc7: {  	v48 =	vshll.u32 v3, $0x1  }
0xc8: {  	v3 =	vand.u32 $0x7, v3;
	v4 =	vand.u32 $0xFFFFFFF0, v48  }
0xc9: {  	v3 =	vor.u32 v3, v4  }
0xca: {  	v4 =	vperm.xlane v3, v0;
	_ =	sdelay $0x1  }
0xcb: {  	v3 =	vperm.xlane v3, v2;
	v4 =	vadd.s32 v1, v4;
	_ =	sdelay $0x1  }
0xcc: {  	v3 =	vadd.s32 v1, v3;
	_ =	sdelay $0x2  }
0xcd: {  	[tilespmem:s14], [sflag:$0x1] =	stream.indirect_vreg.gather [hbm4b:s1+s3], $0x80, v4, vm0, $0xb8;
	[tilespmem:$0x10200] =	vst v63  }
0xce: {  	_ = 	snop  }
0xcf: {  	[tilespmem:s16], [sflag:$0x1] =	stream.indirect_vreg.gather [hbm4b:s1+s3], $0x80, v3, vm0, $0xb8;
	[tilespmem:$0x10200] =	vst v63  }
0xd0: {  	v3 =	vld [tilespmem:$0x110];
	_ =	sdelay $0x4  }
0xd1: {  	v49 =	vshll.u32 v3, $0x1  }
0xd2: {  	v3 =	vand.u32 $0x7, v3;
	v4 =	vand.u32 $0xFFFFFFF0, v49  }
0xd3: {  	v3 =	vor.u32 v3, v4  }
0xd4: {  	v4 =	vperm.xlane v3, v0;
	_ =	sdelay $0x1  }
0xd5: {  	v3 =	vperm.xlane v3, v2;
	v4 =	vadd.s32 v1, v4;
	_ =	sdelay $0x1  }
0xd6: {  	v3 =	vadd.s32 v1, v3;
	_ =	sdelay $0x2  }
0xd7: {  	[tilespmem:s17], [sflag:$0x1] =	stream.indirect_vreg.gather [hbm4b:s1+s3], $0x80, v4, vm0, $0xb8;
	[tilespmem:$0x10200] =	vst v63  }
0xd8: {  	_ = 	snop  }
0xd9: {  	[tilespmem:s18], [sflag:$0x1] =	stream.indirect_vreg.gather [hbm4b:s1+s3], $0x80, v3, vm0, $0xb8;
	[tilespmem:$0x10200] =	vst v63  }
0xda: {  	v3 =	vld [tilespmem:$0x120];
	_ =	sdelay $0x4  }
0xdb: {  	v50 =	vshll.u32 v3, $0x1  }
0xdc: {  	v3 =	vand.u32 $0x7, v3;
	v4 =	vand.u32 $0xFFFFFFF0, v50  }
0xdd: {  	v3 =	vor.u32 v3, v4  }
0xde: {  	v4 =	vperm.xlane v3, v0;
	_ =	sdelay $0x1  }
0xdf: {  	v3 =	vperm.xlane v3, v2;
	v4 =	vadd.s32 v1, v4;
	_ =	sdelay $0x1  }
0xe0: {  	v3 =	vadd.s32 v1, v3;
	_ =	sdelay $0x2  }
0xe1: {  	[tilespmem:s19], [sflag:$0x1] =	stream.indirect_vreg.gather [hbm4b:s1+s3], $0x80, v4, vm0, $0xb8;
	[tilespmem:$0x10200] =	vst v63  }
0xe2: {  	_ = 	snop  }
0xe3: {  	[tilespmem:s20], [sflag:$0x1] =	stream.indirect_vreg.gather [hbm4b:s1+s3], $0x80, v3, vm0, $0xb8;
	[tilespmem:$0x10200] =	vst v63  }
0xe4: {  	v3 =	vld [tilespmem:$0x130];
	_ =	sdelay $0x4  }
0xe5: {  	v51 =	vshll.u32 v3, $0x1  }
0xe6: {  	v3 =	vand.u32 $0x7, v3;
	v4 =	vand.u32 $0xFFFFFFF0, v51  }
0xe7: {  	v3 =	vor.u32 v3, v4  }
0xe8: {  	v4 =	vperm.xlane v3, v0;
	_ =	sdelay $0x1  }
0xe9: {  	v3 =	vperm.xlane v3, v2;
	v4 =	vadd.s32 v1, v4;
	_ =	sdelay $0x1  }
0xea: {  	v3 =	vadd.s32 v1, v3;
	_ =	sdelay $0x2  }
0xeb: {  	[tilespmem:s21], [sflag:$0x1] =	stream.indirect_vreg.gather [hbm4b:s1+s3], $0x80, v4, vm0, $0xb8;
	[tilespmem:$0x10200] =	vst v63  }
0xec: {  	_ = 	snop  }
0xed: {  	[tilespmem:s22], [sflag:$0x1] =	stream.indirect_vreg.gather [hbm4b:s1+s3], $0x80, v3, vm0, $0xb8;
	[tilespmem:$0x10200] =	vst v63  }
0xee: {  	v3 =	vld [tilespmem:$0x140];
	_ =	sdelay $0x4  }
0xef: {  	v52 =	vshll.u32 v3, $0x1  }
0xf0: {  	v3 =	vand.u32 $0x7, v3;
	v4 =	vand.u32 $0xFFFFFFF0, v52  }
0xf1: {  	v3 =	vor.u32 v3, v4  }
0xf2: {  	v4 =	vperm.xlane v3, v0;
	_ =	sdelay $0x1  }
0xf3: {  	v3 =	vperm.xlane v3, v2;
	v4 =	vadd.s32 v1, v4;
	_ =	sdelay $0x1  }
0xf4: {  	v3 =	vadd.s32 v1, v3;
	_ =	sdelay $0x2  }
0xf5: {  	[tilespmem:s24], [sflag:$0x1] =	stream.indirect_vreg.gather [hbm4b:s1+s3], $0x80, v4, vm0, $0xb8;
	[tilespmem:$0x10200] =	vst v63  }
0xf6: {  	_ = 	snop  }
0xf7: {  	[tilespmem:s25], [sflag:$0x1] =	stream.indirect_vreg.gather [hbm4b:s1+s3], $0x80, v3, vm0, $0xb8;
	[tilespmem:$0x10200] =	vst v63  }
0xf8: {  	v3 =	vld [tilespmem:$0x150];
	_ =	sdelay $0x4  }
0xf9: {  	v53 =	vshll.u32 v3, $0x1  }
0xfa: {  	v3 =	vand.u32 $0x7, v3;
	v4 =	vand.u32 $0xFFFFFFF0, v53  }
0xfb: {  	v3 =	vor.u32 v3, v4  }
0xfc: {  	v4 =	vperm.xlane v3, v0;
	_ =	sdelay $0x1  }
0xfd: {  	v3 =	vperm.xlane v3, v2;
	v4 =	vadd.s32 v1, v4;
	_ =	sdelay $0x1  }
0xfe: {  	v3 =	vadd.s32 v1, v3;
	_ =	sdelay $0x2  }
0xff: {  	[tilespmem:s26], [sflag:$0x1] =	stream.indirect_vreg.gather [hbm4b:s1+s3], $0x80, v4, vm0, $0xb8;
	[tilespmem:$0x10200] =	vst v63  }
0x100: {  	_ = 	snop  }
0x101: {  	[tilespmem:s28], [sflag:$0x1] =	stream.indirect_vreg.gather [hbm4b:s1+s3], $0x80, v3, vm0, $0xb8;
	[tilespmem:$0x10200] =	vst v63  }
0x102: {  	v3 =	vld [tilespmem:$0x160];
	_ =	sdelay $0x4  }
0x103: {  	v54 =	vshll.u32 v3, $0x1  }
0x104: {  	v3 =	vand.u32 $0x7, v3;
	v4 =	vand.u32 $0xFFFFFFF0, v54  }
0x105: {  	v3 =	vor.u32 v3, v4  }
0x106: {  	v4 =	vperm.xlane v3, v0;
	_ =	sdelay $0x1  }
0x107: {  	v3 =	vperm.xlane v3, v2;
	v4 =	vadd.s32 v1, v4;
	_ =	sdelay $0x1  }
0x108: {  	v3 =	vadd.s32 v1, v3;
	_ =	sdelay $0x2  }
0x109: {  	[tilespmem:s29], [sflag:$0x1] =	stream.indirect_vreg.gather [hbm4b:s1+s3], $0x80, v4, vm0, $0xb8;
	[tilespmem:$0x10200] =	vst v63  }
0x10a: {  	_ = 	snop  }
0x10b: {  	[tilespmem:s30], [sflag:$0x1] =	stream.indirect_vreg.gather [hbm4b:s1+s3], $0x80, v3, vm0, $0xb8;
	[tilespmem:$0x10200] =	vst v63  }
0x10c: {  	v3 =	vld [tilespmem:$0x170];
	_ =	sdelay $0x4  }
0x10d: {  	v55 =	vshll.u32 v3, $0x1  }
0x10e: {  	v3 =	vand.u32 $0x7, v3;
	v4 =	vand.u32 $0xFFFFFFF0, v55  }
0x10f: {  	v3 =	vor.u32 v3, v4  }
0x110: {  	v4 =	vperm.xlane v3, v0;
	_ =	sdelay $0x1  }
0x111: {  	v3 =	vperm.xlane v3, v2;
	v4 =	vadd.s32 v1, v4;
	_ =	sdelay $0x1  }
0x112: {  	v3 =	vadd.s32 v1, v3;
	_ =	sdelay $0x2  }
0x113: {  	[tilespmem:s31], [sflag:$0x1] =	stream.indirect_vreg.gather [hbm4b:s1+s3], $0x80, v4, vm0, $0xb8;
	[tilespmem:$0x10200] =	vst v63  }
0x114: {  	_ = 	snop  }
0x115: {  	[tilespmem:s2], [sflag:$0x1] =	stream.indirect_vreg.gather [hbm4b:s1+s3], $0x80, v3, vm0, $0xb8;
	[tilespmem:$0x10200] =	vst v63  }
0x116: {  	_ =	swait.ge [sflag:s15], $0x8000  }
0x117: {  	[sflag:s15] =	ssyncset.done $0x0  }
0x118: {  	s2 =	rddreg [dreg:$0x5];
	[sflag:s15] =	ssyncadd.s32 $0xFFFF8000  }
0x119: {  	[hbm4b:s2+s3] =	stream.linear.scatter [tilespmem:s0], [sflag:$0x3], $0x8000, $0x38;
	[tilespmem:$0x10200] =	vst v63  }
0x11a: {  	_ =	swait.ge [sflag:s6], $0x8000  }
0x11b: {  	[sflag:s6] =	ssyncset.done $0x0  }
0x11c: {  	[sflag:s6] =	ssyncadd.s32 $0xFFFF8000  }
0x11d: {  	v3 =	vld [tilespmem:$0x180];
	_ =	sdelay $0x4  }
0x11e: {  	v56 =	vshll.u32 v3, $0x1  }
0x11f: {  	v3 =	vand.u32 $0x7, v3;
	v4 =	vand.u32 $0xFFFFFFF0, v56  }
0x120: {  	v3 =	vor.u32 v3, v4  }
0x121: {  	v4 =	vperm.xlane v3, v0;
	_ =	sdelay $0x1  }
0x122: {  	v3 =	vperm.xlane v3, v2;
	v4 =	vadd.s32 v1, v4;
	_ =	sdelay $0x1  }
0x123: {  	v3 =	vadd.s32 v1, v3;
	_ =	sdelay $0x2  }
0x124: {  	[tilespmem:s0], [sflag:$0x2] =	stream.indirect_vreg.gather [hbm4b:s1+s3], $0x80, v4, vm0, $0xb8;
	[tilespmem:$0x10200] =	vst v63  }
0x125: {  	_ = 	snop  }
0x126: {  	[tilespmem:s23], [sflag:$0x2] =	stream.indirect_vreg.gather [hbm4b:s1+s3], $0x80, v3, vm0, $0xb8;
	[tilespmem:$0x10200] =	vst v63  }
0x127: {  	v3 =	vld [tilespmem:$0x190];
	_ =	sdelay $0x4  }
0x128: {  	v57 =	vshll.u32 v3, $0x1  }
0x129: {  	v3 =	vand.u32 $0x7, v3;
	v4 =	vand.u32 $0xFFFFFFF0, v57  }
0x12a: {  	v3 =	vor.u32 v3, v4  }
0x12b: {  	v4 =	vperm.xlane v3, v0;
	_ =	sdelay $0x1  }
0x12c: {  	v3 =	vperm.xlane v3, v2;
	v4 =	vadd.s32 v1, v4;
	_ =	sdelay $0x1  }
0x12d: {  	v3 =	vadd.s32 v1, v3;
	_ =	sdelay $0x2  }
0x12e: {  	[tilespmem:s8], [sflag:$0x2] =	stream.indirect_vreg.gather [hbm4b:s1+s3], $0x80, v4, vm0, $0xb8;
	[tilespmem:$0x10200] =	vst v63  }
0x12f: {  	_ = 	snop  }
0x130: {  	[tilespmem:s9], [sflag:$0x2] =	stream.indirect_vreg.gather [hbm4b:s1+s3], $0x80, v3, vm0, $0xb8;
	[tilespmem:$0x10200] =	vst v63  }
0x131: {  	v3 =	vld [tilespmem:$0x1A0];
	_ =	sdelay $0x4  }
0x132: {  	v58 =	vshll.u32 v3, $0x1  }
0x133: {  	v3 =	vand.u32 $0x7, v3;
	v4 =	vand.u32 $0xFFFFFFF0, v58  }
0x134: {  	v3 =	vor.u32 v3, v4  }
0x135: {  	v4 =	vperm.xlane v3, v0;
	_ =	sdelay $0x1  }
0x136: {  	v3 =	vperm.xlane v3, v2;
	v4 =	vadd.s32 v1, v4;
	_ =	sdelay $0x1  }
0x137: {  	v3 =	vadd.s32 v1, v3;
	_ =	sdelay $0x2  }
0x138: {  	[tilespmem:s10], [sflag:$0x2] =	stream.indirect_vreg.gather [hbm4b:s1+s3], $0x80, v4, vm0, $0xb8;
	[tilespmem:$0x10200] =	vst v63  }
0x139: {  	_ = 	snop  }
0x13a: {  	[tilespmem:s11], [sflag:$0x2] =	stream.indirect_vreg.gather [hbm4b:s1+s3], $0x80, v3, vm0, $0xb8;
	[tilespmem:$0x10200] =	vst v63  }
0x13b: {  	v3 =	vld [tilespmem:$0x1B0];
	_ =	sdelay $0x4  }
0x13c: {  	v59 =	vshll.u32 v3, $0x1  }
0x13d: {  	v3 =	vand.u32 $0x7, v3;
	v4 =	vand.u32 $0xFFFFFFF0, v59  }
0x13e: {  	v3 =	vor.u32 v3, v4  }
0x13f: {  	v4 =	vperm.xlane v3, v0;
	_ =	sdelay $0x1  }
0x140: {  	v3 =	vperm.xlane v3, v2;
	v4 =	vadd.s32 v1, v4;
	_ =	sdelay $0x1  }
0x141: {  	v3 =	vadd.s32 v1, v3;
	_ =	sdelay $0x1  }
0x142: {  	s16 =	simm.s32 $0xB200  }
0x143: {  	[tilespmem:s16], [sflag:$0x2] =	stream.indirect_vreg.gather [hbm4b:s1+s3], $0x80, v4, vm0, $0xb8;
	[tilespmem:$0x10200] =	vst v63  }
0x144: {  	_ = 	snop  }
0x145: {  	[tilespmem:s13], [sflag:$0x2] =	stream.indirect_vreg.gather [hbm4b:s1+s3], $0x80, v3, vm0, $0xb8;
	[tilespmem:$0x10200] =	vst v63  }
0x146: {  	v3 =	vld [tilespmem:$0x1C0];
	_ =	sdelay $0x4  }
0x147: {  	v60 =	vshll.u32 v3, $0x1  }
0x148: {  	v3 =	vand.u32 $0x7, v3;
	v4 =	vand.u32 $0xFFFFFFF0, v60  }
0x149: {  	v3 =	vor.u32 v3, v4  }
0x14a: {  	v4 =	vperm.xlane v3, v0;
	_ =	sdelay $0x1  }
0x14b: {  	v3 =	vperm.xlane v3, v2;
	v4 =	vadd.s32 v1, v4;
	_ =	sdelay $0x1  }
0x14c: {  	v3 =	vadd.s32 v1, v3;
	_ =	sdelay $0x2  }
0x14d: {  	[tilespmem:s7], [sflag:$0x2] =	stream.indirect_vreg.gather [hbm4b:s1+s3], $0x80, v4, vm0, $0xb8;
	[tilespmem:$0x10200] =	vst v63  }
0x14e: {  	s16 =	simm.s32 $0xCA00  }
0x14f: {  	[tilespmem:s16], [sflag:$0x2] =	stream.indirect_vreg.gather [hbm4b:s1+s3], $0x80, v3, vm0, $0xb8;
	[tilespmem:$0x10200] =	vst v63  }
0x150: {  	v3 =	vld [tilespmem:$0x1D0];
	_ =	sdelay $0x4  }
0x151: {  	v61 =	vshll.u32 v3, $0x1  }
0x152: {  	v3 =	vand.u32 $0x7, v3;
	v4 =	vand.u32 $0xFFFFFFF0, v61  }
0x153: {  	v3 =	vor.u32 v3, v4  }
0x154: {  	v4 =	vperm.xlane v3, v0;
	_ =	sdelay $0x1  }
0x155: {  	v3 =	vperm.xlane v3, v2;
	v4 =	vadd.s32 v1, v4;
	_ =	sdelay $0x1  }
0x156: {  	v3 =	vadd.s32 v1, v3;
	_ =	sdelay $0x1  }
0x157: {  	s7 =	simm.s32 $0xD200  }
0x158: {  	[tilespmem:s7], [sflag:$0x2] =	stream.indirect_vreg.gather [hbm4b:s1+s3], $0x80, v4, vm0, $0xb8;
	[tilespmem:$0x10200] =	vst v63  }
0x159: {  	s16 =	simm.s32 $0xDA00  }
0x15a: {  	[tilespmem:s16], [sflag:$0x2] =	stream.indirect_vreg.gather [hbm4b:s1+s3], $0x80, v3, vm0, $0xb8;
	[tilespmem:$0x10200] =	vst v63  }
0x15b: {  	v3 =	vld [tilespmem:$0x1E0];
	_ =	sdelay $0x4  }
0x15c: {  	v62 =	vshll.u32 v3, $0x1  }
0x15d: {  	v3 =	vand.u32 $0x7, v3;
	v4 =	vand.u32 $0xFFFFFFF0, v62  }
0x15e: {  	v3 =	vor.u32 v3, v4  }
0x15f: {  	v4 =	vperm.xlane v3, v0;
	_ =	sdelay $0x1  }
0x160: {  	v3 =	vperm.xlane v3, v2;
	v4 =	vadd.s32 v1, v4;
	_ =	sdelay $0x1  }
0x161: {  	v3 =	vadd.s32 v1, v3;
	_ =	sdelay $0x1  }
0x162: {  	s7 =	simm.s32 $0xE200  }
0x163: {  	[tilespmem:s7], [sflag:$0x2] =	stream.indirect_vreg.gather [hbm4b:s1+s3], $0x80, v4, vm0, $0xb8;
	[tilespmem:$0x10200] =	vst v63  }
0x164: {  	s16 =	simm.s32 $0xEA00  }
0x165: {  	[tilespmem:s16], [sflag:$0x2] =	stream.indirect_vreg.gather [hbm4b:s1+s3], $0x80, v3, vm0, $0xb8;
	[tilespmem:$0x10200] =	vst v63  }
0x166: {  	v3 =	vld [tilespmem:$0x1F0];
	_ =	sdelay $0x4  }
0x167: {  	v63 =	vshll.u32 v3, $0x1  }
0x168: {  	v3 =	vand.u32 $0x7, v3;
	v4 =	vand.u32 $0xFFFFFFF0, v63  }
0x169: {  	v3 =	vor.u32 v3, v4  }
0x16a: {  	v4 =	vperm.xlane v3, v0;
	_ =	sdelay $0x1  }
0x16b: {  	v3 =	vperm.xlane v3, v2;
	v4 =	vadd.s32 v1, v4;
	_ =	sdelay $0x1  }
0x16c: {  	v3 =	vadd.s32 v1, v3;
	_ =	sdelay $0x1  }
0x16d: {  	s7 =	simm.s32 $0xF200  }
0x16e: {  	[tilespmem:s7], [sflag:$0x2] =	stream.indirect_vreg.gather [hbm4b:s1+s3], $0x80, v4, vm0, $0xb8;
	[tilespmem:$0x10200] =	vst v63  }
0x16f: {  	s16 =	simm.s32 $0xFA00  }
0x170: {  	[tilespmem:s16], [sflag:$0x2] =	stream.indirect_vreg.gather [hbm4b:s1+s3], $0x80, v3, vm0, $0xb8;
	[tilespmem:$0x10200] =	vst v63  }
0x171: {  	_ =	swait.ge [sflag:s4], $0x8000  }
0x172: {  	[sflag:s4] =	ssyncset.done $0x0  }
0x173: {  	s12 =	simm.s32 $0x200;
	s7 =	rddreg [dreg:$0x6];
	[sflag:s4] =	ssyncadd.s32 $0xFFFF8000  }
0x174: {  	[hbm4b:s7+s3] =	stream.linear.scatter [tilespmem:s12], [sflag:$0x3], $0x8000, $0x38;
	[tilespmem:$0x10200] =	vst v63  }
0x175: {  	_ =	swait.ge [sflag:s6], $0x8000  }
0x176: {  	[sflag:s6] =	ssyncset.done $0x0  }
0x177: {  	[sflag:s6] =	ssyncadd.s32 $0xFFFF8000  }
0x178: {  	_ =	swait.ge [sflag:s15], $0x8000  }
0x179: {  	p0 =	sne.s32 s5, $0x1;
	[sflag:s15] =	ssyncset.done $0x0  }
.Ltmp0:
0x17a: {  	s12 =	rddreg [dreg:$0x7];
	[sflag:s15] =	ssyncadd.s32 $0xFFFF8000;
	(pc) =	sbr.rel @p0 .LBB2_1-.Ltmp0, $4  }
0x17b: {  	[hbm4b:s12+s3] =	stream.linear.scatter [tilespmem:s0], [sflag:$0x3], $0x8000, $0x38;
	[tilespmem:$0x10200] =	vst v63  }
0x17c: {  	_ =	swait.ge [sflag:s6], $0x8000  }
0x17d: {  	[sflag:s6] =	ssyncset.done $0x0  }
0x17e: {  	s5 =	sadd.s32 $0xFFFFFFFF, s5;
	[sflag:s6] =	ssyncadd.s32 $0xFFFF8000  }
0x17f: {  	_ =	sfence.sel $0x180000  }
0x180: {  	[bflag:$0x0] =	sbarrier.arrive $0xFFFF  }
0x181: {  	_ =	strace $0x90000047  }
0x182: {  	s0 =	stileid.u32;
	[bflag:$0x2] =	sbarrier.arrive $0xFFFF  }
0x183: {  	p0 =	sne.s32 s0, $0x0;
	s0 =	rddreg [dreg:$0x3]  }
0x184: {  	s0 =	sadd.s32 @!p0 $0x100000, s0  }
0x185: {  	[sflag:s0] =	ssyncadd.tile.s32 @!p0 $0x1;
	_ =	shalt  }
.Lfunc_end2:
_tile_overlayer_lowered:
.L_overlay_start_2:
0x186: {  	(tag) =	ssettag $0x2  }
0x187: {  	s0 =	rddreg [dreg:$0x0];
	s2 =	stileid.u32  }
0x188: {  	s1 =	rddreg [dreg:$0x1];
	p0 =	sne.s32 s2, $0x0  }
0x189: {  	s3 =	rddreg [dreg:$0x2];
	[bflag:$0x3] =	sbarrier.arrive $0xFFFF;
	s2 =	simm.s32 @!p0 $0x1C03  }
0x18a: {  	[timem:s3], [sflag:s2] =	dma.local @!p0 [hbm:s0], s1  }
0x18b: {  	s0 =	simm.s32 @!p0 $0x3  }
0x18c: {  	_ =	swait.ge @!p0 [sflag:s0], s1  }
0x18d: {  	s1 =	ssub.s32 @!p0 $0x0, s1;
	[sflag:s0] =	ssyncset.done @!p0 $0x0  }
0x18e: {  	[sflag:s0] =	ssyncadd.s32 @!p0 s1  }
0x18f: {  	[bflag:$0x3] =	sbarrier.arrive $0xFFFF  }
0x190: {  	_ =	shalt  }

</sc_bundles>
